<compile_context>
chip_gen: v7x
topology: tpu7x:2x2x1
jax: 0.10.2.dev20260603
libtpu: 0.0.44.dev20260713+nightly
codegen_flags: <defaults>
</compile_context>

<pallas_src>
import functools

import jax
import jax.numpy as jnp
import numpy as np
from jax import lax
from jax.experimental import pallas as pl
from jax.experimental.pallas import tpu as pltpu
from jax.experimental.pallas import tpu_sc as plsc

_NC, _NS, _L = 2, 16, 16
_NW = _NC * _NS


def _sc_gather_body(n_vox, n_clust, n_pts,
                    xyp_hbm, zs_hbm, idxt_hbm, oxy_hbm, oz_hbm,
                    sh_xy, sh_z, pxy_v, pz_v, idx_v, oxy_v, oz_v,
                    sem_idx, sem_xy, sem_z, sem_o0, sem_o1):
    clust_per_w = n_clust // _NW
    ngrp = clust_per_w // _L
    wid = lax.axis_index("s") * _NC + lax.axis_index("c")
    c0 = wid * clust_per_w
    sid = lax.axis_index("s")
    idx_cp = pltpu.async_copy(
        idxt_hbm.at[:, pl.ds(c0, clust_per_w)], idx_v, sem_idx)

    seg = n_vox // _NS
    pltpu.sync_copy(xyp_hbm.at[pl.ds(sid * seg, seg)],
                    sh_xy.at[pl.ds(sid * seg, seg)])
    pltpu.sync_copy(zs_hbm.at[pl.ds(sid * seg, seg)],
                    sh_z.at[pl.ds(sid * seg, seg)])
    plsc.subcore_barrier()
    cp_xy = pltpu.async_copy(sh_xy, pxy_v, sem_xy)
    cp_z = pltpu.async_copy(sh_z, pz_v, sem_z)
    cp_xy.wait()
    cp_z.wait()
    idx_cp.wait()

    nh = n_pts // 2
    out_cps = []
    for h in range(2):
        @plsc.parallel_loop(h * nh, (h + 1) * nh, step=1, unroll=4)
        def point_body(j):
            for g in range(ngrp):
                idx16 = idx_v[j, pl.ds(g * _L, _L)]
                oxy_v[j, pl.ds(g * _L, _L)] = plsc.load_gather(pxy_v, [idx16])
                oz_v[j, pl.ds(g * _L, _L)] = plsc.load_gather(pz_v, [idx16])

        out_cps.append(pltpu.async_copy(
            oxy_v.at[pl.ds(h * nh, nh)],
            oxy_hbm.at[pl.ds(h * nh, nh), pl.ds(c0, clust_per_w)], sem_o0))
        out_cps.append(pltpu.async_copy(
            oz_v.at[pl.ds(h * nh, nh)],
            oz_hbm.at[pl.ds(h * nh, nh), pl.ds(c0, clust_per_w)], sem_o1))

    for cp in out_cps:
        cp.wait()


_SQRT3_2 = float(np.sqrt(3.0) / 2.0)


def _tc_feats_body(n_pts, xy_ref, z_ref, o_ref):
    ub = lax.bitcast_convert_type(xy_ref[...], jnp.uint32)
    X = lax.bitcast_convert_type(ub << jnp.uint32(16), jnp.float32)
    Y = lax.bitcast_convert_type(ub & jnp.uint32(0xFFFF0000), jnp.float32)
    Z = z_ref[...]
    inv_n = 1.0 / n_pts
    cx = jnp.sum(X, 0, keepdims=True) * inv_n
    cy = jnp.sum(Y, 0, keepdims=True) * inv_n
    cz = jnp.sum(Z, 0, keepdims=True) * inv_n
    Xc, Yc, Zc = X - cx, Y - cy, Z - cz
    axx = jnp.sum(Xc * Xc, 0, keepdims=True)
    axy = jnp.sum(Xc * Yc, 0, keepdims=True)
    axz = jnp.sum(Xc * Zc, 0, keepdims=True)
    ayy = jnp.sum(Yc * Yc, 0, keepdims=True)
    ayz = jnp.sum(Yc * Zc, 0, keepdims=True)
    azz = jnp.sum(Zc * Zc, 0, keepdims=True)

    q = (axx + ayy + azz) * (1.0 / 3.0)
    mxx, myy, mzz = axx - q, ayy - q, azz - q
    p2 = mxx * mxx + myy * myy + mzz * mzz + 2.0 * (axy * axy + axz * axz + ayz * ayz)
    p = jnp.sqrt(p2 * (1.0 / 6.0))
    pd = jnp.maximum(p, 1e-30)
    detM = (mxx * (myy * mzz - ayz * ayz)
            - axy * (axy * mzz - ayz * axz)
            + axz * (axy * ayz - myy * axz))
    rr = jnp.clip(0.5 * detM / (pd * pd * pd), -1.0, 1.0)
    ar = jnp.abs(rr)
    apoly = (1.5707963050 + ar * (-0.2145988016 + ar * (0.0889789874
             + ar * (-0.0501743046 + ar * (0.0308918810 + ar * (-0.0170881256
             + ar * (0.0066700901 + ar * (-0.0012624911))))))))
    acos_pos = jnp.sqrt(jnp.maximum(1.0 - ar, 0.0)) * apoly
    acos_r = jnp.where(rr >= 0.0, acos_pos, float(np.pi) - acos_pos)
    phi = acos_r * (1.0 / 3.0)
    ph2 = phi * phi
    cphi = 1.0 + ph2 * (-0.5 + ph2 * ((1.0 / 24.0) + ph2 * (-(1.0 / 720.0)
           + ph2 * (1.0 / 40320.0))))
    sphi = phi * (1.0 + ph2 * (-(1.0 / 6.0) + ph2 * ((1.0 / 120.0)
           + ph2 * (-(1.0 / 5040.0) + ph2 * (1.0 / 362880.0)))))
    w2 = q + 2.0 * p * cphi
    w0 = q + 2.0 * p * (-0.5 * cphi - _SQRT3_2 * sphi)
    w1 = 3.0 * q - w2 - w0
    dirwt = jnp.where(w2 == 0.0, 0.0, 1.0 - w1 / w2)

    sxx = axx * axx + axy * axy + axz * axz
    sxy = axx * axy + axy * ayy + axz * ayz
    sxz = axx * axz + axy * ayz + axz * azz
    syy = axy * axy + ayy * ayy + ayz * ayz
    syz = axy * axz + ayy * ayz + ayz * azz
    szz = axz * axz + ayz * ayz + azz * azz
    t = w0 + w1
    u = w0 * w1
    P00 = sxx - t * axx + u
    P01 = sxy - t * axy
    P02 = sxz - t * axz
    P11 = syy - t * ayy + u
    P12 = syz - t * ayz
    P22 = szz - t * azz + u
    n0 = P00 * P00 + P01 * P01 + P02 * P02
    n1 = P01 * P01 + P11 * P11 + P12 * P12
    n2 = P02 * P02 + P12 * P12 + P22 * P22
    use0 = (n0 >= n1) & (n0 >= n2)
    use1 = jnp.logical_not(use0) & (n1 >= n2)
    vx = jnp.where(use0, P00, jnp.where(use1, P01, P02))
    vy = jnp.where(use0, P01, jnp.where(use1, P11, P12))
    vz = jnp.where(use0, P02, jnp.where(use1, P12, P22))
    vn = jnp.sqrt(vx * vx + vy * vy + vz * vz)
    inv = jnp.where(vn > 0.0, 1.0 / vn, 0.0)
    vx, vy, vz = vx * inv, vy * inv, vz * inv

    x0 = Xc * vx + Yc * vy + Zc * vz
    xpx = Xc - x0 * vx
    xpy = Yc - x0 * vy
    xpz = Zc - x0 * vz
    np0 = jnp.sqrt(xpx * xpx + xpy * xpy + xpz * xpz)
    sc = jnp.sum(x0 * np0, 0, keepdims=True)
    sgn = jnp.where(sc < 0.0, -1.0, 1.0)
    s = sgn * dirwt
    vfx, vfy, vfz = vx * s, vy * s, vz * s

    iw2 = 1.0 / w2
    size = jnp.full_like(cx, float(n_pts))
    o_ref[...] = jnp.concatenate(
        [cx, cy, cz,
         axx * iw2, axy * iw2, axz * iw2,
         axy * iw2, ayy * iw2, ayz * iw2,
         axz * iw2, ayz * iw2, azz * iw2,
         vfx, vfy, vfz, size], axis=0)


def kernel(data, clusts):
    n_vox = data.shape[0]
    n_clust, n_pts = clusts.shape
    vox = data[:, :3].astype(jnp.float32)
    xb = lax.bitcast_convert_type(vox[:, 0].astype(jnp.bfloat16),
                                  jnp.uint16).astype(jnp.uint32)
    yb = lax.bitcast_convert_type(vox[:, 1].astype(jnp.bfloat16),
                                  jnp.uint16).astype(jnp.uint32)
    xyp = lax.bitcast_convert_type(xb | (yb << jnp.uint32(16)), jnp.int32)
    zs = vox[:, 2]
    idxt = clusts.T

    mesh = plsc.VectorSubcoreMesh(core_axis_name="c", subcore_axis_name="s")
    clust_per_w = n_clust // _NW
    oxy, oz = pl.kernel(
        functools.partial(_sc_gather_body, n_vox, n_clust, n_pts),
        out_type=[jax.ShapeDtypeStruct((n_pts, n_clust), jnp.int32),
                  jax.ShapeDtypeStruct((n_pts, n_clust), jnp.float32)],
        mesh=mesh,
        scratch_types=[pltpu.VMEM_SHARED((n_vox,), jnp.int32),
                       pltpu.VMEM_SHARED((n_vox,), jnp.float32),
                       pltpu.VMEM((n_vox,), jnp.int32),
                       pltpu.VMEM((n_vox,), jnp.float32),
                       pltpu.VMEM((n_pts, clust_per_w), jnp.int32),
                       pltpu.VMEM((n_pts, clust_per_w), jnp.int32),
                       pltpu.VMEM((n_pts, clust_per_w), jnp.float32),
                       pltpu.SemaphoreType.DMA,
                       pltpu.SemaphoreType.DMA,
                       pltpu.SemaphoreType.DMA,
                       pltpu.SemaphoreType.DMA,
                       pltpu.SemaphoreType.DMA],
        compiler_params=pltpu.CompilerParams(needs_layout_passes=False),
    )(xyp, zs, idxt)

    bw = 512
    feats_t = pl.pallas_call(
        functools.partial(_tc_feats_body, n_pts),
        grid=(n_clust // bw,),
        in_specs=[pl.BlockSpec((n_pts, bw), lambda i: (0, i))] * 2,
        out_specs=pl.BlockSpec((16, bw), lambda i: (0, i)),
        out_shape=jax.ShapeDtypeStruct((16, n_clust), jnp.float32),
    )(oxy, oz)
    return feats_t.T

# --- scband reference (transcript-rebuilt; emitter-appended) ---
"""Pipeline reference for scband-clust-geo-node-encoder-63608465654085 (READ-ONLY COPY).

The authoritative reference and input builder live on the scoring server;
editing this copy changes nothing except your own understanding.
"""

import jax, jax.numpy as jnp
import numpy as np


def _cluster_feats(x, delta):
    # x: [n_pts, 3] voxel coords of one cluster (n_pts >= 2 branch of the torch code)
    n_pts = x.shape[0]
    center = x.mean(axis=0)
    xc = x - center
    A = xc.T @ xc
    w, v = jnp.linalg.eigh(A)  # symmetric 3x3; torch.eig on A gives same eigenpairs up to order/sign
    idxs = jnp.argsort(w)
    w = w[idxs]
    v = v[:, idxs]
    dirwt = jnp.where(w[2] == 0, 0.0, 1.0 - w[1] / w[2])
    w2 = w + delta
    w2 = w2 / w2[2]
    B = (1.0 - delta) * (v @ jnp.diag(w2) @ v.T) + delta * jnp.eye(3, dtype=x.dtype)
    v0 = v[:, 2]
    x0 = xc @ v0
    xp0 = xc - jnp.outer(x0, v0)
    np0 = jnp.linalg.norm(xp0, axis=1)
    sc = jnp.dot(x0, np0)
    v0 = jnp.where(sc < 0, -v0, v0)
    v0 = dirwt * v0
    size = jnp.full((1,), n_pts, dtype=x.dtype)
    return jnp.concatenate([center, B.flatten(), v0, size])


def setup_inputs(seed: int = 0) -> dict:
    key = jax.random.key(seed)
    k1, k2 = jax.random.split(key)
    data = jax.random.normal(k1, (32768, 6), dtype=jnp.float32)
    clusts = jax.random.randint(k2, (4096, 128), 0, 32768, dtype=jnp.int32)
    return {"data": data, "clusts": clusts}


def reference(data, clusts):
    delta = 0.0
    voxels = data[:, :3].astype(jnp.float32)
    # more_feats=False: values/sem_types columns are read in torch but not part of the output
    feats = jax.vmap(lambda c: _cluster_feats(voxels[c], delta))(clusts)
    return feats

if __name__ == "__main__":
    import jax
    _d = setup_inputs()
    print(jax.jit(kernel)(*tuple(_d.values())))

</pallas_src>

<mosaic_0001>
#map = affine_map<(d0, d1) -> (0)>
#map1 = affine_map<(d0, d1) -> (0, 0)>
module attributes {stable_mosaic.version = 14 : i64} {
  func.func @_sc_gather_body(%arg0: i32, %arg1: i32, %arg2: memref<32768xi32, #tpu.memory_space<hbm>>, %arg3: memref<32768xf32, #tpu.memory_space<hbm>>, %arg4: memref<128x4096xi32, #tpu.memory_space<hbm>>, %arg5: memref<128x4096xi32, #tpu.memory_space<hbm>>, %arg6: memref<128x4096xf32, #tpu.memory_space<hbm>>, %arg7: memref<32768xi32, #tpu.memory_space<vmem_shared>>, %arg8: memref<32768xf32, #tpu.memory_space<vmem_shared>>, %arg9: memref<32768xi32, #tpu.memory_space<vmem>>, %arg10: memref<32768xf32, #tpu.memory_space<vmem>>, %arg11: memref<128x128xi32, #tpu.memory_space<vmem>>, %arg12: memref<128x128xi32, #tpu.memory_space<vmem>>, %arg13: memref<128x128xf32, #tpu.memory_space<vmem>>, %arg14: memref<!tpu.dma_semaphore, #tpu.memory_space<semaphore_mem>>, %arg15: memref<!tpu.dma_semaphore, #tpu.memory_space<semaphore_mem>>, %arg16: memref<!tpu.dma_semaphore, #tpu.memory_space<semaphore_mem>>, %arg17: memref<!tpu.dma_semaphore, #tpu.memory_space<semaphore_mem>>, %arg18: memref<!tpu.dma_semaphore, #tpu.memory_space<semaphore_mem>>) attributes {dimension_semantics = [#tpu.dimension_semantics<core_parallel>, #tpu.dimension_semantics<subcore_parallel>], iteration_bounds = array<i64: 2, 16>, scalar_prefetch = 0 : i64, scratch_operands = 12 : i64, tpu.core_type = #tpu.core_type<sc_vector_subcore>, window_params = [{transform_indices = #map}, {transform_indices = #map}, {transform_indices = #map1}, {transform_indices = #map1}, {transform_indices = #map1}]} {
    %mul3A = arith.constant 2 : i32
    %mul3A_0 = arith.muli %arg1, %mul3A : i32
    %add3A = arith.addi %mul3A_0, %arg0 : i32
    %mul3A_1 = arith.constant 128 : i32
    %mul3A_2 = arith.muli %add3A, %mul3A_1 : i32
    %dma_start3A = arith.constant 0 : i32
    %dma_start3A_3 = tpu.memref_slice %arg4[%dma_start3A, %mul3A_2] : memref<128x4096xi32, #tpu.memory_space<hbm>> -> memref<128x128xi32, #tpu.memory_space<hbm>>
    %dma_start3A_4 = arith.constant 0 : i32
    %dma_start3A_5 = tpu.memref_slice %arg4[%dma_start3A_4, %mul3A_2] : memref<128x4096xi32, #tpu.memory_space<hbm>> -> memref<128x128xi32, #tpu.memory_space<hbm>>
    tpu.enqueue_dma source(%dma_start3A_5 : memref<128x128xi32, #tpu.memory_space<hbm>>) target(%arg11 : memref<128x128xi32, #tpu.memory_space<vmem>>) target_semaphore(%arg14 : memref<!tpu.dma_semaphore, #tpu.memory_space<semaphore_mem>>)
    %mul3A_6 = arith.constant 2048 : i32
    %mul3A_7 = arith.muli %arg1, %mul3A_6 : i32
    %mul3A_8 = arith.constant 2048 : i32
    %mul3A_9 = arith.muli %arg1, %mul3A_8 : i32
    "tpu.region"() ({
      %run_scoped3A = tpu.sem_alloc : memref<!tpu.dma_semaphore, #tpu.memory_space<semaphore_mem>>
      %dma_start3A_102 = tpu.memref_slice %arg7[%mul3A_9] : memref<32768xi32, #tpu.memory_space<vmem_shared>> -> memref<2048xi32, #tpu.memory_space<vmem_shared>>
      %dma_start3A_103 = tpu.memref_slice %arg2[%mul3A_7] : memref<32768xi32, #tpu.memory_space<hbm>> -> memref<2048xi32, #tpu.memory_space<hbm>>
      tpu.enqueue_dma source(%dma_start3A_103 : memref<2048xi32, #tpu.memory_space<hbm>>) target(%dma_start3A_102 : memref<2048xi32, #tpu.memory_space<vmem_shared>>) target_semaphore(%run_scoped3A : memref<!tpu.dma_semaphore, #tpu.memory_space<semaphore_mem>>)
      %dma_wait3A_104 = tpu.memref_slice %arg7[%mul3A_9] : memref<32768xi32, #tpu.memory_space<vmem_shared>> -> memref<2048xi32, #tpu.memory_space<vmem_shared>>
      %dma_wait3A_105 = tpu.memref_slice %arg2[%mul3A_7] : memref<32768xi32, #tpu.memory_space<hbm>> -> memref<2048xi32, #tpu.memory_space<hbm>>
      tpu.wait_dma2 semaphore(%run_scoped3A : memref<!tpu.dma_semaphore, #tpu.memory_space<semaphore_mem>>) src(%dma_wait3A_105 : memref<2048xi32, #tpu.memory_space<hbm>>) dst(%dma_wait3A_104 : memref<2048xi32, #tpu.memory_space<vmem_shared>>)
      tpu.yield
    }) : () -> ()
    %mul3A_10 = arith.constant 2048 : i32
    %mul3A_11 = arith.muli %arg1, %mul3A_10 : i32
    %mul3A_12 = arith.constant 2048 : i32
    %mul3A_13 = arith.muli %arg1, %mul3A_12 : i32
    "tpu.region"() ({
      %run_scoped3A = tpu.sem_alloc : memref<!tpu.dma_semaphore, #tpu.memory_space<semaphore_mem>>
      %dma_start3A_102 = tpu.memref_slice %arg8[%mul3A_13] : memref<32768xf32, #tpu.memory_space<vmem_shared>> -> memref<2048xf32, #tpu.memory_space<vmem_shared>>
      %dma_start3A_103 = tpu.memref_slice %arg3[%mul3A_11] : memref<32768xf32, #tpu.memory_space<hbm>> -> memref<2048xf32, #tpu.memory_space<hbm>>
      tpu.enqueue_dma source(%dma_start3A_103 : memref<2048xf32, #tpu.memory_space<hbm>>) target(%dma_start3A_102 : memref<2048xf32, #tpu.memory_space<vmem_shared>>) target_semaphore(%run_scoped3A : memref<!tpu.dma_semaphore, #tpu.memory_space<semaphore_mem>>)
      %dma_wait3A_104 = tpu.memref_slice %arg8[%mul3A_13] : memref<32768xf32, #tpu.memory_space<vmem_shared>> -> memref<2048xf32, #tpu.memory_space<vmem_shared>>
      %dma_wait3A_105 = tpu.memref_slice %arg3[%mul3A_11] : memref<32768xf32, #tpu.memory_space<hbm>> -> memref<2048xf32, #tpu.memory_space<hbm>>
      tpu.wait_dma2 semaphore(%run_scoped3A : memref<!tpu.dma_semaphore, #tpu.memory_space<semaphore_mem>>) src(%dma_wait3A_105 : memref<2048xf32, #tpu.memory_space<hbm>>) dst(%dma_wait3A_104 : memref<2048xf32, #tpu.memory_space<vmem_shared>>)
      tpu.yield
    }) : () -> ()
    %barrier3A = arith.constant 0 : index
    tpu.barrier barrier_id(%barrier3A)
    tpu.enqueue_dma source(%arg7 : memref<32768xi32, #tpu.memory_space<vmem_shared>>) target(%arg9 : memref<32768xi32, #tpu.memory_space<vmem>>) target_semaphore(%arg15 : memref<!tpu.dma_semaphore, #tpu.memory_space<semaphore_mem>>)
    tpu.enqueue_dma source(%arg8 : memref<32768xf32, #tpu.memory_space<vmem_shared>>) target(%arg10 : memref<32768xf32, #tpu.memory_space<vmem>>) target_semaphore(%arg16 : memref<!tpu.dma_semaphore, #tpu.memory_space<semaphore_mem>>)
    tpu.wait_dma2 semaphore(%arg15 : memref<!tpu.dma_semaphore, #tpu.memory_space<semaphore_mem>>) src(%arg7 : memref<32768xi32, #tpu.memory_space<vmem_shared>>) dst(%arg9 : memref<32768xi32, #tpu.memory_space<vmem>>)
    tpu.wait_dma2 semaphore(%arg16 : memref<!tpu.dma_semaphore, #tpu.memory_space<semaphore_mem>>) src(%arg8 : memref<32768xf32, #tpu.memory_space<vmem_shared>>) dst(%arg10 : memref<32768xf32, #tpu.memory_space<vmem>>)
    %dma_wait3A = arith.constant 0 : i32
    %dma_wait3A_14 = tpu.memref_slice %arg4[%dma_wait3A, %mul3A_2] : memref<128x4096xi32, #tpu.memory_space<hbm>> -> memref<128x128xi32, #tpu.memory_space<hbm>>
    %dma_wait3A_15 = arith.constant 0 : i32
    %dma_wait3A_16 = tpu.memref_slice %arg4[%dma_wait3A_15, %mul3A_2] : memref<128x4096xi32, #tpu.memory_space<hbm>> -> memref<128x128xi32, #tpu.memory_space<hbm>>
    tpu.wait_dma2 semaphore(%arg14 : memref<!tpu.dma_semaphore, #tpu.memory_space<semaphore_mem>>) src(%dma_wait3A_16 : memref<128x128xi32, #tpu.memory_space<hbm>>) dst(%arg11 : memref<128x128xi32, #tpu.memory_space<vmem>>)
    %parallel_loop3A = arith.constant 0 : i32
    %parallel_loop3A_17 = arith.constant 64 : i32
    %parallel_loop3A_18 = arith.constant 1 : i32
    scf.for %parallel_loop3A_102 = %parallel_loop3A to %parallel_loop3A_17 step %parallel_loop3A_18  : i32 {
      %parallel_loop3A_103 = arith.index_cast %parallel_loop3A_102 : i32 to index
      %parallel_loop3A_104 = arith.constant 0 : index
      %parallel_loop3A_105 = tpu.vector_load %arg11[%parallel_loop3A_103, %parallel_loop3A_104] {strides = array<i32>} : memref<128x128xi32, #tpu.memory_space<vmem>>, vector<16xi32>,
      %parallel_loop3A_106 = tpu.vector_load_idx %arg9[%parallel_loop3A_105] : memref<32768xi32, #tpu.memory_space<vmem>>[vector<16xi32>], vector<16xi32>,
      %parallel_loop3A_107 = arith.index_cast %parallel_loop3A_102 : i32 to index
      %parallel_loop3A_108 = arith.constant 0 : index
      %parallel_loop3A_109 = tpu.vector_load %arg12[%parallel_loop3A_107, %parallel_loop3A_108] {strides = array<i32>} : memref<128x128xi32, #tpu.memory_space<vmem>>, vector<16xi32>,
      tpu.vector_store %arg12[%parallel_loop3A_107, %parallel_loop3A_108], %parallel_loop3A_106 {strides = array<i32>} : memref<128x128xi32, #tpu.memory_space<vmem>>, vector<16xi32>,
      %parallel_loop3A_110 = tpu.vector_load_idx %arg10[%parallel_loop3A_105] : memref<32768xf32, #tpu.memory_space<vmem>>[vector<16xi32>], vector<16xf32>,
      %parallel_loop3A_111 = arith.index_cast %parallel_loop3A_102 : i32 to index
      %parallel_loop3A_112 = arith.constant 0 : index
      %parallel_loop3A_113 = tpu.vector_load %arg13[%parallel_loop3A_111, %parallel_loop3A_112] {strides = array<i32>} : memref<128x128xf32, #tpu.memory_space<vmem>>, vector<16xf32>,
      tpu.vector_store %arg13[%parallel_loop3A_111, %parallel_loop3A_112], %parallel_loop3A_110 {strides = array<i32>} : memref<128x128xf32, #tpu.memory_space<vmem>>, vector<16xf32>,
      %parallel_loop3A_114 = arith.index_cast %parallel_loop3A_102 : i32 to index
      %parallel_loop3A_115 = arith.constant 16 : index
      %parallel_loop3A_116 = tpu.vector_load %arg11[%parallel_loop3A_114, %parallel_loop3A_115] {strides = array<i32>} : memref<128x128xi32, #tpu.memory_space<vmem>>, vector<16xi32>,
      %parallel_loop3A_117 = tpu.vector_load_idx %arg9[%parallel_loop3A_116] : memref<32768xi32, #tpu.memory_space<vmem>>[vector<16xi32>], vector<16xi32>,
      %parallel_loop3A_118 = arith.index_cast %parallel_loop3A_102 : i32 to index
      %parallel_loop3A_119 = arith.constant 16 : index
      %parallel_loop3A_120 = tpu.vector_load %arg12[%parallel_loop3A_118, %parallel_loop3A_119] {strides = array<i32>} : memref<128x128xi32, #tpu.memory_space<vmem>>, vector<16xi32>,
      tpu.vector_store %arg12[%parallel_loop3A_118, %parallel_loop3A_119], %parallel_loop3A_117 {strides = array<i32>} : memref<128x128xi32, #tpu.memory_space<vmem>>, vector<16xi32>,
      %parallel_loop3A_121 = tpu.vector_load_idx %arg10[%parallel_loop3A_116] : memref<32768xf32, #tpu.memory_space<vmem>>[vector<16xi32>], vector<16xf32>,
      %parallel_loop3A_122 = arith.index_cast %parallel_loop3A_102 : i32 to index
      %parallel_loop3A_123 = arith.constant 16 : index
      %parallel_loop3A_124 = tpu.vector_load %arg13[%parallel_loop3A_122, %parallel_loop3A_123] {strides = array<i32>} : memref<128x128xf32, #tpu.memory_space<vmem>>, vector<16xf32>,
      tpu.vector_store %arg13[%parallel_loop3A_122, %parallel_loop3A_123], %parallel_loop3A_121 {strides = array<i32>} : memref<128x128xf32, #tpu.memory_space<vmem>>, vector<16xf32>,
      %parallel_loop3A_125 = arith.index_cast %parallel_loop3A_102 : i32 to index
      %parallel_loop3A_126 = arith.constant 32 : index
      %parallel_loop3A_127 = tpu.vector_load %arg11[%parallel_loop3A_125, %parallel_loop3A_126] {strides = array<i32>} : memref<128x128xi32, #tpu.memory_space<vmem>>, vector<16xi32>,
      %parallel_loop3A_128 = tpu.vector_load_idx %arg9[%parallel_loop3A_127] : memref<32768xi32, #tpu.memory_space<vmem>>[vector<16xi32>], vector<16xi32>,
      %parallel_loop3A_129 = arith.index_cast %parallel_loop3A_102 : i32 to index
      %parallel_loop3A_130 = arith.constant 32 : index
      %parallel_loop3A_131 = tpu.vector_load %arg12[%parallel_loop3A_129, %parallel_loop3A_130] {strides = array<i32>} : memref<128x128xi32, #tpu.memory_space<vmem>>, vector<16xi32>,
      tpu.vector_store %arg12[%parallel_loop3A_129, %parallel_loop3A_130], %parallel_loop3A_128 {strides = array<i32>} : memref<128x128xi32, #tpu.memory_space<vmem>>, vector<16xi32>,
      %parallel_loop3A_132 = tpu.vector_load_idx %arg10[%parallel_loop3A_127] : memref<32768xf32, #tpu.memory_space<vmem>>[vector<16xi32>], vector<16xf32>,
      %parallel_loop3A_133 = arith.index_cast %parallel_loop3A_102 : i32 to index
      %parallel_loop3A_134 = arith.constant 32 : index
      %parallel_loop3A_135 = tpu.vector_load %arg13[%parallel_loop3A_133, %parallel_loop3A_134] {strides = array<i32>} : memref<128x128xf32, #tpu.memory_space<vmem>>, vector<16xf32>,
      tpu.vector_store %arg13[%parallel_loop3A_133, %parallel_loop3A_134], %parallel_loop3A_132 {strides = array<i32>} : memref<128x128xf32, #tpu.memory_space<vmem>>, vector<16xf32>,
      %parallel_loop3A_136 = arith.index_cast %parallel_loop3A_102 : i32 to index
      %parallel_loop3A_137 = arith.constant 48 : index
      %parallel_loop3A_138 = tpu.vector_load %arg11[%parallel_loop3A_136, %parallel_loop3A_137] {strides = array<i32>} : memref<128x128xi32, #tpu.memory_space<vmem>>, vector<16xi32>,
      %parallel_loop3A_139 = tpu.vector_load_idx %arg9[%parallel_loop3A_138] : memref<32768xi32, #tpu.memory_space<vmem>>[vector<16xi32>], vector<16xi32>,
      %parallel_loop3A_140 = arith.index_cast %parallel_loop3A_102 : i32 to index
      %parallel_loop3A_141 = arith.constant 48 : index
      %parallel_loop3A_142 = tpu.vector_load %arg12[%parallel_loop3A_140, %parallel_loop3A_141] {strides = array<i32>} : memref<128x128xi32, #tpu.memory_space<vmem>>, vector<16xi32>,
      tpu.vector_store %arg12[%parallel_loop3A_140, %parallel_loop3A_141], %parallel_loop3A_139 {strides = array<i32>} : memref<128x128xi32, #tpu.memory_space<vmem>>, vector<16xi32>,
      %parallel_loop3A_143 = tpu.vector_load_idx %arg10[%parallel_loop3A_138] : memref<32768xf32, #tpu.memory_space<vmem>>[vector<16xi32>], vector<16xf32>,
      %parallel_loop3A_144 = arith.index_cast %parallel_loop3A_102 : i32 to index
      %parallel_loop3A_145 = arith.constant 48 : index
      %parallel_loop3A_146 = tpu.vector_load %arg13[%parallel_loop3A_144, %parallel_loop3A_145] {strides = array<i32>} : memref<128x128xf32, #tpu.memory_space<vmem>>, vector<16xf32>,
      tpu.vector_store %arg13[%parallel_loop3A_144, %parallel_loop3A_145], %parallel_loop3A_143 {strides = array<i32>} : memref<128x128xf32, #tpu.memory_space<vmem>>, vector<16xf32>,
      %parallel_loop3A_147 = arith.index_cast %parallel_loop3A_102 : i32 to index
      %parallel_loop3A_148 = arith.constant 64 : index
      %parallel_loop3A_149 = tpu.vector_load %arg11[%parallel_loop3A_147, %parallel_loop3A_148] {strides = array<i32>} : memref<128x128xi32, #tpu.memory_space<vmem>>, vector<16xi32>,
      %parallel_loop3A_150 = tpu.vector_load_idx %arg9[%parallel_loop3A_149] : memref<32768xi32, #tpu.memory_space<vmem>>[vector<16xi32>], vector<16xi32>,
      %parallel_loop3A_151 = arith.index_cast %parallel_loop3A_102 : i32 to index
      %parallel_loop3A_152 = arith.constant 64 : index
      %parallel_loop3A_153 = tpu.vector_load %arg12[%parallel_loop3A_151, %parallel_loop3A_152] {strides = array<i32>} : memref<128x128xi32, #tpu.memory_space<vmem>>, vector<16xi32>,
      tpu.vector_store %arg12[%parallel_loop3A_151, %parallel_loop3A_152], %parallel_loop3A_150 {strides = array<i32>} : memref<128x128xi32, #tpu.memory_space<vmem>>, vector<16xi32>,
      %parallel_loop3A_154 = tpu.vector_load_idx %arg10[%parallel_loop3A_149] : memref<32768xf32, #tpu.memory_space<vmem>>[vector<16xi32>], vector<16xf32>,
      %parallel_loop3A_155 = arith.index_cast %parallel_loop3A_102 : i32 to index
      %parallel_loop3A_156 = arith.constant 64 : index
      %parallel_loop3A_157 = tpu.vector_load %arg13[%parallel_loop3A_155, %parallel_loop3A_156] {strides = array<i32>} : memref<128x128xf32, #tpu.memory_space<vmem>>, vector<16xf32>,
      tpu.vector_store %arg13[%parallel_loop3A_155, %parallel_loop3A_156], %parallel_loop3A_154 {strides = array<i32>} : memref<128x128xf32, #tpu.memory_space<vmem>>, vector<16xf32>,
      %parallel_loop3A_158 = arith.index_cast %parallel_loop3A_102 : i32 to index
      %parallel_loop3A_159 = arith.constant 80 : index
      %parallel_loop3A_160 = tpu.vector_load %arg11[%parallel_loop3A_158, %parallel_loop3A_159] {strides = array<i32>} : memref<128x128xi32, #tpu.memory_space<vmem>>, vector<16xi32>,
      %parallel_loop3A_161 = tpu.vector_load_idx %arg9[%parallel_loop3A_160] : memref<32768xi32, #tpu.memory_space<vmem>>[vector<16xi32>], vector<16xi32>,
      %parallel_loop3A_162 = arith.index_cast %parallel_loop3A_102 : i32 to index
      %parallel_loop3A_163 = arith.constant 80 : index
      %parallel_loop3A_164 = tpu.vector_load %arg12[%parallel_loop3A_162, %parallel_loop3A_163] {strides = array<i32>} : memref<128x128xi32, #tpu.memory_space<vmem>>, vector<16xi32>,
      tpu.vector_store %arg12[%parallel_loop3A_162, %parallel_loop3A_163], %parallel_loop3A_161 {strides = array<i32>} : memref<128x128xi32, #tpu.memory_space<vmem>>, vector<16xi32>,
      %parallel_loop3A_165 = tpu.vector_load_idx %arg10[%parallel_loop3A_160] : memref<32768xf32, #tpu.memory_space<vmem>>[vector<16xi32>], vector<16xf32>,
      %parallel_loop3A_166 = arith.index_cast %parallel_loop3A_102 : i32 to index
      %parallel_loop3A_167 = arith.constant 80 : index
      %parallel_loop3A_168 = tpu.vector_load %arg13[%parallel_loop3A_166, %parallel_loop3A_167] {strides = array<i32>} : memref<128x128xf32, #tpu.memory_space<vmem>>, vector<16xf32>,
      tpu.vector_store %arg13[%parallel_loop3A_166, %parallel_loop3A_167], %parallel_loop3A_165 {strides = array<i32>} : memref<128x128xf32, #tpu.memory_space<vmem>>, vector<16xf32>,
      %parallel_loop3A_169 = arith.index_cast %parallel_loop3A_102 : i32 to index
      %parallel_loop3A_170 = arith.constant 96 : index
      %parallel_loop3A_171 = tpu.vector_load %arg11[%parallel_loop3A_169, %parallel_loop3A_170] {strides = array<i32>} : memref<128x128xi32, #tpu.memory_space<vmem>>, vector<16xi32>,
      %parallel_loop3A_172 = tpu.vector_load_idx %arg9[%parallel_loop3A_171] : memref<32768xi32, #tpu.memory_space<vmem>>[vector<16xi32>], vector<16xi32>,
      %parallel_loop3A_173 = arith.index_cast %parallel_loop3A_102 : i32 to index
      %parallel_loop3A_174 = arith.constant 96 : index
      %parallel_loop3A_175 = tpu.vector_load %arg12[%parallel_loop3A_173, %parallel_loop3A_174] {strides = array<i32>} : memref<128x128xi32, #tpu.memory_space<vmem>>, vector<16xi32>,
      tpu.vector_store %arg12[%parallel_loop3A_173, %parallel_loop3A_174], %parallel_loop3A_172 {strides = array<i32>} : memref<128x128xi32, #tpu.memory_space<vmem>>, vector<16xi32>,
      %parallel_loop3A_176 = tpu.vector_load_idx %arg10[%parallel_loop3A_171] : memref<32768xf32, #tpu.memory_space<vmem>>[vector<16xi32>], vector<16xf32>,
      %parallel_loop3A_177 = arith.index_cast %parallel_loop3A_102 : i32 to index
      %parallel_loop3A_178 = arith.constant 96 : index
      %parallel_loop3A_179 = tpu.vector_load %arg13[%parallel_loop3A_177, %parallel_loop3A_178] {strides = array<i32>} : memref<128x128xf32, #tpu.memory_space<vmem>>, vector<16xf32>,
      tpu.vector_store %arg13[%parallel_loop3A_177, %parallel_loop3A_178], %parallel_loop3A_176 {strides = array<i32>} : memref<128x128xf32, #tpu.memory_space<vmem>>, vector<16xf32>,
      %parallel_loop3A_180 = arith.index_cast %parallel_loop3A_102 : i32 to index
      %parallel_loop3A_181 = arith.constant 112 : index
      %parallel_loop3A_182 = tpu.vector_load %arg11[%parallel_loop3A_180, %parallel_loop3A_181] {strides = array<i32>} : memref<128x128xi32, #tpu.memory_space<vmem>>, vector<16xi32>,
      %parallel_loop3A_183 = tpu.vector_load_idx %arg9[%parallel_loop3A_182] : memref<32768xi32, #tpu.memory_space<vmem>>[vector<16xi32>], vector<16xi32>,
      %parallel_loop3A_184 = arith.index_cast %parallel_loop3A_102 : i32 to index
      %parallel_loop3A_185 = arith.constant 112 : index
      %parallel_loop3A_186 = tpu.vector_load %arg12[%parallel_loop3A_184, %parallel_loop3A_185] {strides = array<i32>} : memref<128x128xi32, #tpu.memory_space<vmem>>, vector<16xi32>,
      tpu.vector_store %arg12[%parallel_loop3A_184, %parallel_loop3A_185], %parallel_loop3A_183 {strides = array<i32>} : memref<128x128xi32, #tpu.memory_space<vmem>>, vector<16xi32>,
      %parallel_loop3A_187 = tpu.vector_load_idx %arg10[%parallel_loop3A_182] : memref<32768xf32, #tpu.memory_space<vmem>>[vector<16xi32>], vector<16xf32>,
      %parallel_loop3A_188 = arith.index_cast %parallel_loop3A_102 : i32 to index
      %parallel_loop3A_189 = arith.constant 112 : index
      %parallel_loop3A_190 = tpu.vector_load %arg13[%parallel_loop3A_188, %parallel_loop3A_189] {strides = array<i32>} : memref<128x128xf32, #tpu.memory_space<vmem>>, vector<16xf32>,
      tpu.vector_store %arg13[%parallel_loop3A_188, %parallel_loop3A_189], %parallel_loop3A_187 {strides = array<i32>} : memref<128x128xf32, #tpu.memory_space<vmem>>, vector<16xf32>,
    } {sc.loop_unroll_factor = 4 : i64, sc.parallel_access}
    %dma_start3A_19 = arith.constant 0 : i32
    %dma_start3A_20 = arith.constant 0 : i32
    %dma_start3A_21 = tpu.memref_slice %arg12[%dma_start3A_19, %dma_start3A_20] : memref<128x128xi32, #tpu.memory_space<vmem>> -> memref<64x128xi32, #tpu.memory_space<vmem>>
    %dma_start3A_22 = arith.constant 0 : i32
    %dma_start3A_23 = tpu.memref_slice %arg5[%dma_start3A_22, %mul3A_2] : memref<128x4096xi32, #tpu.memory_space<hbm>> -> memref<64x128xi32, #tpu.memory_space<hbm>>
    %dma_start3A_24 = arith.constant 0 : i32
    %dma_start3A_25 = tpu.memref_slice %arg5[%dma_start3A_24, %mul3A_2] : memref<128x4096xi32, #tpu.memory_space<hbm>> -> memref<64x128xi32, #tpu.memory_space<hbm>>
    %dma_start3A_26 = arith.constant 0 : i32
    %dma_start3A_27 = arith.constant 0 : i32
    %dma_start3A_28 = tpu.memref_slice %arg12[%dma_start3A_26, %dma_start3A_27] : memref<128x128xi32, #tpu.memory_space<vmem>> -> memref<64x128xi32, #tpu.memory_space<vmem>>
    tpu.enqueue_dma source(%dma_start3A_28 : memref<64x128xi32, #tpu.memory_space<vmem>>) target(%dma_start3A_25 : memref<64x128xi32, #tpu.memory_space<hbm>>) target_semaphore(%arg17 : memref<!tpu.dma_semaphore, #tpu.memory_space<semaphore_mem>>)
    %dma_start3A_29 = arith.constant 0 : i32
    %dma_start3A_30 = arith.constant 0 : i32
    %dma_start3A_31 = tpu.memref_slice %arg13[%dma_start3A_29, %dma_start3A_30] : memref<128x128xf32, #tpu.memory_space<vmem>> -> memref<64x128xf32, #tpu.memory_space<vmem>>
    %dma_start3A_32 = arith.constant 0 : i32
    %dma_start3A_33 = tpu.memref_slice %arg6[%dma_start3A_32, %mul3A_2] : memref<128x4096xf32, #tpu.memory_space<hbm>> -> memref<64x128xf32, #tpu.memory_space<hbm>>
    %dma_start3A_34 = arith.constant 0 : i32
    %dma_start3A_35 = tpu.memref_slice %arg6[%dma_start3A_34, %mul3A_2] : memref<128x4096xf32, #tpu.memory_space<hbm>> -> memref<64x128xf32, #tpu.memory_space<hbm>>
    %dma_start3A_36 = arith.constant 0 : i32
    %dma_start3A_37 = arith.constant 0 : i32
    %dma_start3A_38 = tpu.memref_slice %arg13[%dma_start3A_36, %dma_start3A_37] : memref<128x128xf32, #tpu.memory_space<vmem>> -> memref<64x128xf32, #tpu.memory_space<vmem>>
    tpu.enqueue_dma source(%dma_start3A_38 : memref<64x128xf32, #tpu.memory_space<vmem>>) target(%dma_start3A_35 : memref<64x128xf32, #tpu.memory_space<hbm>>) target_semaphore(%arg18 : memref<!tpu.dma_semaphore, #tpu.memory_space<semaphore_mem>>)
    %parallel_loop3A_39 = arith.constant 64 : i32
    %parallel_loop3A_40 = arith.constant 128 : i32
    %parallel_loop3A_41 = arith.constant 1 : i32
    scf.for %parallel_loop3A_102 = %parallel_loop3A_39 to %parallel_loop3A_40 step %parallel_loop3A_41  : i32 {
      %parallel_loop3A_103 = arith.index_cast %parallel_loop3A_102 : i32 to index
      %parallel_loop3A_104 = arith.constant 0 : index
      %parallel_loop3A_105 = tpu.vector_load %arg11[%parallel_loop3A_103, %parallel_loop3A_104] {strides = array<i32>} : memref<128x128xi32, #tpu.memory_space<vmem>>, vector<16xi32>,
      %parallel_loop3A_106 = tpu.vector_load_idx %arg9[%parallel_loop3A_105] : memref<32768xi32, #tpu.memory_space<vmem>>[vector<16xi32>], vector<16xi32>,
      %parallel_loop3A_107 = arith.index_cast %parallel_loop3A_102 : i32 to index
      %parallel_loop3A_108 = arith.constant 0 : index
      %parallel_loop3A_109 = tpu.vector_load %arg12[%parallel_loop3A_107, %parallel_loop3A_108] {strides = array<i32>} : memref<128x128xi32, #tpu.memory_space<vmem>>, vector<16xi32>,
      tpu.vector_store %arg12[%parallel_loop3A_107, %parallel_loop3A_108], %parallel_loop3A_106 {strides = array<i32>} : memref<128x128xi32, #tpu.memory_space<vmem>>, vector<16xi32>,
      %parallel_loop3A_110 = tpu.vector_load_idx %arg10[%parallel_loop3A_105] : memref<32768xf32, #tpu.memory_space<vmem>>[vector<16xi32>], vector<16xf32>,
      %parallel_loop3A_111 = arith.index_cast %parallel_loop3A_102 : i32 to index
      %parallel_loop3A_112 = arith.constant 0 : index
      %parallel_loop3A_113 = tpu.vector_load %arg13[%parallel_loop3A_111, %parallel_loop3A_112] {strides = array<i32>} : memref<128x128xf32, #tpu.memory_space<vmem>>, vector<16xf32>,
      tpu.vector_store %arg13[%parallel_loop3A_111, %parallel_loop3A_112], %parallel_loop3A_110 {strides = array<i32>} : memref<128x128xf32, #tpu.memory_space<vmem>>, vector<16xf32>,
      %parallel_loop3A_114 = arith.index_cast %parallel_loop3A_102 : i32 to index
      %parallel_loop3A_115 = arith.constant 16 : index
      %parallel_loop3A_116 = tpu.vector_load %arg11[%parallel_loop3A_114, %parallel_loop3A_115] {strides = array<i32>} : memref<128x128xi32, #tpu.memory_space<vmem>>, vector<16xi32>,
      %parallel_loop3A_117 = tpu.vector_load_idx %arg9[%parallel_loop3A_116] : memref<32768xi32, #tpu.memory_space<vmem>>[vector<16xi32>], vector<16xi32>,
      %parallel_loop3A_118 = arith.index_cast %parallel_loop3A_102 : i32 to index
      %parallel_loop3A_119 = arith.constant 16 : index
      %parallel_loop3A_120 = tpu.vector_load %arg12[%parallel_loop3A_118, %parallel_loop3A_119] {strides = array<i32>} : memref<128x128xi32, #tpu.memory_space<vmem>>, vector<16xi32>,
      tpu.vector_store %arg12[%parallel_loop3A_118, %parallel_loop3A_119], %parallel_loop3A_117 {strides = array<i32>} : memref<128x128xi32, #tpu.memory_space<vmem>>, vector<16xi32>,
      %parallel_loop3A_121 = tpu.vector_load_idx %arg10[%parallel_loop3A_116] : memref<32768xf32, #tpu.memory_space<vmem>>[vector<16xi32>], vector<16xf32>,
      %parallel_loop3A_122 = arith.index_cast %parallel_loop3A_102 : i32 to index
      %parallel_loop3A_123 = arith.constant 16 : index
      %parallel_loop3A_124 = tpu.vector_load %arg13[%parallel_loop3A_122, %parallel_loop3A_123] {strides = array<i32>} : memref<128x128xf32, #tpu.memory_space<vmem>>, vector<16xf32>,
      tpu.vector_store %arg13[%parallel_loop3A_122, %parallel_loop3A_123], %parallel_loop3A_121 {strides = array<i32>} : memref<128x128xf32, #tpu.memory_space<vmem>>, vector<16xf32>,
      %parallel_loop3A_125 = arith.index_cast %parallel_loop3A_102 : i32 to index
      %parallel_loop3A_126 = arith.constant 32 : index
      %parallel_loop3A_127 = tpu.vector_load %arg11[%parallel_loop3A_125, %parallel_loop3A_126] {strides = array<i32>} : memref<128x128xi32, #tpu.memory_space<vmem>>, vector<16xi32>,
      %parallel_loop3A_128 = tpu.vector_load_idx %arg9[%parallel_loop3A_127] : memref<32768xi32, #tpu.memory_space<vmem>>[vector<16xi32>], vector<16xi32>,
      %parallel_loop3A_129 = arith.index_cast %parallel_loop3A_102 : i32 to index
      %parallel_loop3A_130 = arith.constant 32 : index
      %parallel_loop3A_131 = tpu.vector_load %arg12[%parallel_loop3A_129, %parallel_loop3A_130] {strides = array<i32>} : memref<128x128xi32, #tpu.memory_space<vmem>>, vector<16xi32>,
      tpu.vector_store %arg12[%parallel_loop3A_129, %parallel_loop3A_130], %parallel_loop3A_128 {strides = array<i32>} : memref<128x128xi32, #tpu.memory_space<vmem>>, vector<16xi32>,
      %parallel_loop3A_132 = tpu.vector_load_idx %arg10[%parallel_loop3A_127] : memref<32768xf32, #tpu.memory_space<vmem>>[vector<16xi32>], vector<16xf32>,
      %parallel_loop3A_133 = arith.index_cast %parallel_loop3A_102 : i32 to index
      %parallel_loop3A_134 = arith.constant 32 : index
      %parallel_loop3A_135 = tpu.vector_load %arg13[%parallel_loop3A_133, %parallel_loop3A_134] {strides = array<i32>} : memref<128x128xf32, #tpu.memory_space<vmem>>, vector<16xf32>,
      tpu.vector_store %arg13[%parallel_loop3A_133, %parallel_loop3A_134], %parallel_loop3A_132 {strides = array<i32>} : memref<128x128xf32, #tpu.memory_space<vmem>>, vector<16xf32>,
      %parallel_loop3A_136 = arith.index_cast %parallel_loop3A_102 : i32 to index
      %parallel_loop3A_137 = arith.constant 48 : index
      %parallel_loop3A_138 = tpu.vector_load %arg11[%parallel_loop3A_136, %parallel_loop3A_137] {strides = array<i32>} : memref<128x128xi32, #tpu.memory_space<vmem>>, vector<16xi32>,
      %parallel_loop3A_139 = tpu.vector_load_idx %arg9[%parallel_loop3A_138] : memref<32768xi32, #tpu.memory_space<vmem>>[vector<16xi32>], vector<16xi32>,
      %parallel_loop3A_140 = arith.index_cast %parallel_loop3A_102 : i32 to index
      %parallel_loop3A_141 = arith.constant 48 : index
      %parallel_loop3A_142 = tpu.vector_load %arg12[%parallel_loop3A_140, %parallel_loop3A_141] {strides = array<i32>} : memref<128x128xi32, #tpu.memory_space<vmem>>, vector<16xi32>,
      tpu.vector_store %arg12[%parallel_loop3A_140, %parallel_loop3A_141], %parallel_loop3A_139 {strides = array<i32>} : memref<128x128xi32, #tpu.memory_space<vmem>>, vector<16xi32>,
      %parallel_loop3A_143 = tpu.vector_load_idx %arg10[%parallel_loop3A_138] : memref<32768xf32, #tpu.memory_space<vmem>>[vector<16xi32>], vector<16xf32>,
      %parallel_loop3A_144 = arith.index_cast %parallel_loop3A_102 : i32 to index
      %parallel_loop3A_145 = arith.constant 48 : index
      %parallel_loop3A_146 = tpu.vector_load %arg13[%parallel_loop3A_144, %parallel_loop3A_145] {strides = array<i32>} : memref<128x128xf32, #tpu.memory_space<vmem>>, vector<16xf32>,
      tpu.vector_store %arg13[%parallel_loop3A_144, %parallel_loop3A_145], %parallel_loop3A_143 {strides = array<i32>} : memref<128x128xf32, #tpu.memory_space<vmem>>, vector<16xf32>,
      %parallel_loop3A_147 = arith.index_cast %parallel_loop3A_102 : i32 to index
      %parallel_loop3A_148 = arith.constant 64 : index
      %parallel_loop3A_149 = tpu.vector_load %arg11[%parallel_loop3A_147, %parallel_loop3A_148] {strides = array<i32>} : memref<128x128xi32, #tpu.memory_space<vmem>>, vector<16xi32>,
      %parallel_loop3A_150 = tpu.vector_load_idx %arg9[%parallel_loop3A_149] : memref<32768xi32, #tpu.memory_space<vmem>>[vector<16xi32>], vector<16xi32>,
      %parallel_loop3A_151 = arith.index_cast %parallel_loop3A_102 : i32 to index
      %parallel_loop3A_152 = arith.constant 64 : index
      %parallel_loop3A_153 = tpu.vector_load %arg12[%parallel_loop3A_151, %parallel_loop3A_152] {strides = array<i32>} : memref<128x128xi32, #tpu.memory_space<vmem>>, vector<16xi32>,
      tpu.vector_store %arg12[%parallel_loop3A_151, %parallel_loop3A_152], %parallel_loop3A_150 {strides = array<i32>} : memref<128x128xi32, #tpu.memory_space<vmem>>, vector<16xi32>,
      %parallel_loop3A_154 = tpu.vector_load_idx %arg10[%parallel_loop3A_149] : memref<32768xf32, #tpu.memory_space<vmem>>[vector<16xi32>], vector<16xf32>,
      %parallel_loop3A_155 = arith.index_cast %parallel_loop3A_102 : i32 to index
      %parallel_loop3A_156 = arith.constant 64 : index
      %parallel_loop3A_157 = tpu.vector_load %arg13[%parallel_loop3A_155, %parallel_loop3A_156] {strides = array<i32>} : memref<128x128xf32, #tpu.memory_space<vmem>>, vector<16xf32>,
      tpu.vector_store %arg13[%parallel_loop3A_155, %parallel_loop3A_156], %parallel_loop3A_154 {strides = array<i32>} : memref<128x128xf32, #tpu.memory_space<vmem>>, vector<16xf32>,
      %parallel_loop3A_158 = arith.index_cast %parallel_loop3A_102 : i32 to index
      %parallel_loop3A_159 = arith.constant 80 : index
      %parallel_loop3A_160 = tpu.vector_load %arg11[%parallel_loop3A_158, %parallel_loop3A_159] {strides = array<i32>} : memref<128x128xi32, #tpu.memory_space<vmem>>, vector<16xi32>,
      %parallel_loop3A_161 = tpu.vector_load_idx %arg9[%parallel_loop3A_160] : memref<32768xi32, #tpu.memory_space<vmem>>[vector<16xi32>], vector<16xi32>,
      %parallel_loop3A_162 = arith.index_cast %parallel_loop3A_102 : i32 to index
      %parallel_loop3A_163 = arith.constant 80 : index
      %parallel_loop3A_164 = tpu.vector_load %arg12[%parallel_loop3A_162, %parallel_loop3A_163] {strides = array<i32>} : memref<128x128xi32, #tpu.memory_space<vmem>>, vector<16xi32>,
      tpu.vector_store %arg12[%parallel_loop3A_162, %parallel_loop3A_163], %parallel_loop3A_161 {strides = array<i32>} : memref<128x128xi32, #tpu.memory_space<vmem>>, vector<16xi32>,
      %parallel_loop3A_165 = tpu.vector_load_idx %arg10[%parallel_loop3A_160] : memref<32768xf32, #tpu.memory_space<vmem>>[vector<16xi32>], vector<16xf32>,
      %parallel_loop3A_166 = arith.index_cast %parallel_loop3A_102 : i32 to index
      %parallel_loop3A_167 = arith.constant 80 : index
      %parallel_loop3A_168 = tpu.vector_load %arg13[%parallel_loop3A_166, %parallel_loop3A_167] {strides = array<i32>} : memref<128x128xf32, #tpu.memory_space<vmem>>, vector<16xf32>,
      tpu.vector_store %arg13[%parallel_loop3A_166, %parallel_loop3A_167], %parallel_loop3A_165 {strides = array<i32>} : memref<128x128xf32, #tpu.memory_space<vmem>>, vector<16xf32>,
      %parallel_loop3A_169 = arith.index_cast %parallel_loop3A_102 : i32 to index
      %parallel_loop3A_170 = arith.constant 96 : index
      %parallel_loop3A_171 = tpu.vector_load %arg11[%parallel_loop3A_169, %parallel_loop3A_170] {strides = array<i32>} : memref<128x128xi32, #tpu.memory_space<vmem>>, vector<16xi32>,
      %parallel_loop3A_172 = tpu.vector_load_idx %arg9[%parallel_loop3A_171] : memref<32768xi32, #tpu.memory_space<vmem>>[vector<16xi32>], vector<16xi32>,
      %parallel_loop3A_173 = arith.index_cast %parallel_loop3A_102 : i32 to index
      %parallel_loop3A_174 = arith.constant 96 : index
      %parallel_loop3A_175 = tpu.vector_load %arg12[%parallel_loop3A_173, %parallel_loop3A_174] {strides = array<i32>} : memref<128x128xi32, #tpu.memory_space<vmem>>, vector<16xi32>,
      tpu.vector_store %arg12[%parallel_loop3A_173, %parallel_loop3A_174], %parallel_loop3A_172 {strides = array<i32>} : memref<128x128xi32, #tpu.memory_space<vmem>>, vector<16xi32>,
      %parallel_loop3A_176 = tpu.vector_load_idx %arg10[%parallel_loop3A_171] : memref<32768xf32, #tpu.memory_space<vmem>>[vector<16xi32>], vector<16xf32>,
      %parallel_loop3A_177 = arith.index_cast %parallel_loop3A_102 : i32 to index
      %parallel_loop3A_178 = arith.constant 96 : index
      %parallel_loop3A_179 = tpu.vector_load %arg13[%parallel_loop3A_177, %parallel_loop3A_178] {strides = array<i32>} : memref<128x128xf32, #tpu.memory_space<vmem>>, vector<16xf32>,
      tpu.vector_store %arg13[%parallel_loop3A_177, %parallel_loop3A_178], %parallel_loop3A_176 {strides = array<i32>} : memref<128x128xf32, #tpu.memory_space<vmem>>, vector<16xf32>,
      %parallel_loop3A_180 = arith.index_cast %parallel_loop3A_102 : i32 to index
      %parallel_loop3A_181 = arith.constant 112 : index
      %parallel_loop3A_182 = tpu.vector_load %arg11[%parallel_loop3A_180, %parallel_loop3A_181] {strides = array<i32>} : memref<128x128xi32, #tpu.memory_space<vmem>>, vector<16xi32>,
      %parallel_loop3A_183 = tpu.vector_load_idx %arg9[%parallel_loop3A_182] : memref<32768xi32, #tpu.memory_space<vmem>>[vector<16xi32>], vector<16xi32>,
      %parallel_loop3A_184 = arith.index_cast %parallel_loop3A_102 : i32 to index
      %parallel_loop3A_185 = arith.constant 112 : index
      %parallel_loop3A_186 = tpu.vector_load %arg12[%parallel_loop3A_184, %parallel_loop3A_185] {strides = array<i32>} : memref<128x128xi32, #tpu.memory_space<vmem>>, vector<16xi32>,
      tpu.vector_store %arg12[%parallel_loop3A_184, %parallel_loop3A_185], %parallel_loop3A_183 {strides = array<i32>} : memref<128x128xi32, #tpu.memory_space<vmem>>, vector<16xi32>,
      %parallel_loop3A_187 = tpu.vector_load_idx %arg10[%parallel_loop3A_182] : memref<32768xf32, #tpu.memory_space<vmem>>[vector<16xi32>], vector<16xf32>,
      %parallel_loop3A_188 = arith.index_cast %parallel_loop3A_102 : i32 to index
      %parallel_loop3A_189 = arith.constant 112 : index
      %parallel_loop3A_190 = tpu.vector_load %arg13[%parallel_loop3A_188, %parallel_loop3A_189] {strides = array<i32>} : memref<128x128xf32, #tpu.memory_space<vmem>>, vector<16xf32>,
      tpu.vector_store %arg13[%parallel_loop3A_188, %parallel_loop3A_189], %parallel_loop3A_187 {strides = array<i32>} : memref<128x128xf32, #tpu.memory_space<vmem>>, vector<16xf32>,
    } {sc.loop_unroll_factor = 4 : i64, sc.parallel_access}
    %dma_start3A_42 = arith.constant 64 : i32
    %dma_start3A_43 = arith.constant 0 : i32
    %dma_start3A_44 = tpu.memref_slice %arg12[%dma_start3A_42, %dma_start3A_43] : memref<128x128xi32, #tpu.memory_space<vmem>> -> memref<64x128xi32, #tpu.memory_space<vmem>>
    %dma_start3A_45 = arith.constant 64 : i32
    %dma_start3A_46 = tpu.memref_slice %arg5[%dma_start3A_45, %mul3A_2] : memref<128x4096xi32, #tpu.memory_space<hbm>> -> memref<64x128xi32, #tpu.memory_space<hbm>>
    %dma_start3A_47 = arith.constant 64 : i32
    %dma_start3A_48 = tpu.memref_slice %arg5[%dma_start3A_47, %mul3A_2] : memref<128x4096xi32, #tpu.memory_space<hbm>> -> memref<64x128xi32, #tpu.memory_space<hbm>>
    %dma_start3A_49 = arith.constant 64 : i32
    %dma_start3A_50 = arith.constant 0 : i32
    %dma_start3A_51 = tpu.memref_slice %arg12[%dma_start3A_49, %dma_start3A_50] : memref<128x128xi32, #tpu.memory_space<vmem>> -> memref<64x128xi32, #tpu.memory_space<vmem>>
    tpu.enqueue_dma source(%dma_start3A_51 : memref<64x128xi32, #tpu.memory_space<vmem>>) target(%dma_start3A_48 : memref<64x128xi32, #tpu.memory_space<hbm>>) target_semaphore(%arg17 : memref<!tpu.dma_semaphore, #tpu.memory_space<semaphore_mem>>)
    %dma_start3A_52 = arith.constant 64 : i32
    %dma_start3A_53 = arith.constant 0 : i32
    %dma_start3A_54 = tpu.memref_slice %arg13[%dma_start3A_52, %dma_start3A_53] : memref<128x128xf32, #tpu.memory_space<vmem>> -> memref<64x128xf32, #tpu.memory_space<vmem>>
    %dma_start3A_55 = arith.constant 64 : i32
    %dma_start3A_56 = tpu.memref_slice %arg6[%dma_start3A_55, %mul3A_2] : memref<128x4096xf32, #tpu.memory_space<hbm>> -> memref<64x128xf32, #tpu.memory_space<hbm>>
    %dma_start3A_57 = arith.constant 64 : i32
    %dma_start3A_58 = tpu.memref_slice %arg6[%dma_start3A_57, %mul3A_2] : memref<128x4096xf32, #tpu.memory_space<hbm>> -> memref<64x128xf32, #tpu.memory_space<hbm>>
    %dma_start3A_59 = arith.constant 64 : i32
    %dma_start3A_60 = arith.constant 0 : i32
    %dma_start3A_61 = tpu.memref_slice %arg13[%dma_start3A_59, %dma_start3A_60] : memref<128x128xf32, #tpu.memory_space<vmem>> -> memref<64x128xf32, #tpu.memory_space<vmem>>
    tpu.enqueue_dma source(%dma_start3A_61 : memref<64x128xf32, #tpu.memory_space<vmem>>) target(%dma_start3A_58 : memref<64x128xf32, #tpu.memory_space<hbm>>) target_semaphore(%arg18 : memref<!tpu.dma_semaphore, #tpu.memory_space<semaphore_mem>>)
    %dma_wait3A_62 = arith.constant 0 : i32
    %dma_wait3A_63 = arith.constant 0 : i32
    %dma_wait3A_64 = tpu.memref_slice %arg12[%dma_wait3A_62, %dma_wait3A_63] : memref<128x128xi32, #tpu.memory_space<vmem>> -> memref<64x128xi32, #tpu.memory_space<vmem>>
    %dma_wait3A_65 = arith.constant 0 : i32
    %dma_wait3A_66 = tpu.memref_slice %arg5[%dma_wait3A_65, %mul3A_2] : memref<128x4096xi32, #tpu.memory_space<hbm>> -> memref<64x128xi32, #tpu.memory_space<hbm>>
    %dma_wait3A_67 = arith.constant 0 : i32
    %dma_wait3A_68 = tpu.memref_slice %arg5[%dma_wait3A_67, %mul3A_2] : memref<128x4096xi32, #tpu.memory_space<hbm>> -> memref<64x128xi32, #tpu.memory_space<hbm>>
    %dma_wait3A_69 = arith.constant 0 : i32
    %dma_wait3A_70 = arith.constant 0 : i32
    %dma_wait3A_71 = tpu.memref_slice %arg12[%dma_wait3A_69, %dma_wait3A_70] : memref<128x128xi32, #tpu.memory_space<vmem>> -> memref<64x128xi32, #tpu.memory_space<vmem>>
    tpu.wait_dma2 semaphore(%arg17 : memref<!tpu.dma_semaphore, #tpu.memory_space<semaphore_mem>>) src(%dma_wait3A_71 : memref<64x128xi32, #tpu.memory_space<vmem>>) dst(%dma_wait3A_68 : memref<64x128xi32, #tpu.memory_space<hbm>>)
    %dma_wait3A_72 = arith.constant 0 : i32
    %dma_wait3A_73 = arith.constant 0 : i32
    %dma_wait3A_74 = tpu.memref_slice %arg13[%dma_wait3A_72, %dma_wait3A_73] : memref<128x128xf32, #tpu.memory_space<vmem>> -> memref<64x128xf32, #tpu.memory_space<vmem>>
    %dma_wait3A_75 = arith.constant 0 : i32
    %dma_wait3A_76 = tpu.memref_slice %arg6[%dma_wait3A_75, %mul3A_2] : memref<128x4096xf32, #tpu.memory_space<hbm>> -> memref<64x128xf32, #tpu.memory_space<hbm>>
    %dma_wait3A_77 = arith.constant 0 : i32
    %dma_wait3A_78 = tpu.memref_slice %arg6[%dma_wait3A_77, %mul3A_2] : memref<128x4096xf32, #tpu.memory_space<hbm>> -> memref<64x128xf32, #tpu.memory_space<hbm>>
    %dma_wait3A_79 = arith.constant 0 : i32
    %dma_wait3A_80 = arith.constant 0 : i32
    %dma_wait3A_81 = tpu.memref_slice %arg13[%dma_wait3A_79, %dma_wait3A_80] : memref<128x128xf32, #tpu.memory_space<vmem>> -> memref<64x128xf32, #tpu.memory_space<vmem>>
    tpu.wait_dma2 semaphore(%arg18 : memref<!tpu.dma_semaphore, #tpu.memory_space<semaphore_mem>>) src(%dma_wait3A_81 : memref<64x128xf32, #tpu.memory_space<vmem>>) dst(%dma_wait3A_78 : memref<64x128xf32, #tpu.memory_space<hbm>>)
    %dma_wait3A_82 = arith.constant 64 : i32
    %dma_wait3A_83 = arith.constant 0 : i32
    %dma_wait3A_84 = tpu.memref_slice %arg12[%dma_wait3A_82, %dma_wait3A_83] : memref<128x128xi32, #tpu.memory_space<vmem>> -> memref<64x128xi32, #tpu.memory_space<vmem>>
    %dma_wait3A_85 = arith.constant 64 : i32
    %dma_wait3A_86 = tpu.memref_slice %arg5[%dma_wait3A_85, %mul3A_2] : memref<128x4096xi32, #tpu.memory_space<hbm>> -> memref<64x128xi32, #tpu.memory_space<hbm>>
    %dma_wait3A_87 = arith.constant 64 : i32
    %dma_wait3A_88 = tpu.memref_slice %arg5[%dma_wait3A_87, %mul3A_2] : memref<128x4096xi32, #tpu.memory_space<hbm>> -> memref<64x128xi32, #tpu.memory_space<hbm>>
    %dma_wait3A_89 = arith.constant 64 : i32
    %dma_wait3A_90 = arith.constant 0 : i32
    %dma_wait3A_91 = tpu.memref_slice %arg12[%dma_wait3A_89, %dma_wait3A_90] : memref<128x128xi32, #tpu.memory_space<vmem>> -> memref<64x128xi32, #tpu.memory_space<vmem>>
    tpu.wait_dma2 semaphore(%arg17 : memref<!tpu.dma_semaphore, #tpu.memory_space<semaphore_mem>>) src(%dma_wait3A_91 : memref<64x128xi32, #tpu.memory_space<vmem>>) dst(%dma_wait3A_88 : memref<64x128xi32, #tpu.memory_space<hbm>>)
    %dma_wait3A_92 = arith.constant 64 : i32
    %dma_wait3A_93 = arith.constant 0 : i32
    %dma_wait3A_94 = tpu.memref_slice %arg13[%dma_wait3A_92, %dma_wait3A_93] : memref<128x128xf32, #tpu.memory_space<vmem>> -> memref<64x128xf32, #tpu.memory_space<vmem>>
    %dma_wait3A_95 = arith.constant 64 : i32
    %dma_wait3A_96 = tpu.memref_slice %arg6[%dma_wait3A_95, %mul3A_2] : memref<128x4096xf32, #tpu.memory_space<hbm>> -> memref<64x128xf32, #tpu.memory_space<hbm>>
    %dma_wait3A_97 = arith.constant 64 : i32
    %dma_wait3A_98 = tpu.memref_slice %arg6[%dma_wait3A_97, %mul3A_2] : memref<128x4096xf32, #tpu.memory_space<hbm>> -> memref<64x128xf32, #tpu.memory_space<hbm>>
    %dma_wait3A_99 = arith.constant 64 : i32
    %dma_wait3A_100 = arith.constant 0 : i32
    %dma_wait3A_101 = tpu.memref_slice %arg13[%dma_wait3A_99, %dma_wait3A_100] : memref<128x128xf32, #tpu.memory_space<vmem>> -> memref<64x128xf32, #tpu.memory_space<vmem>>
    tpu.wait_dma2 semaphore(%arg18 : memref<!tpu.dma_semaphore, #tpu.memory_space<semaphore_mem>>) src(%dma_wait3A_101 : memref<64x128xf32, #tpu.memory_space<vmem>>) dst(%dma_wait3A_98 : memref<64x128xf32, #tpu.memory_space<hbm>>)
    return
  }
}

module attributes {stable_mosaic.version = 14 : i64} {
  func.func @_tc_feats_body(%arg0: i32, %arg1: memref<128x512xi32, #tpu.memory_space<vmem>>, %arg2: memref<128x512xf32, #tpu.memory_space<vmem>>, %arg3: memref<16x512xf32, #tpu.memory_space<vmem>>) attributes {dimension_semantics = [#tpu.dimension_semantics<arbitrary>], iteration_bounds = array<i64: 8>, scalar_prefetch = 0 : i64, scratch_operands = 0 : i64, tpu.core_type = #tpu.core_type<tc>, window_params = [{transform_indices = @transform_0, window_bounds = array<i64: 128, 512>}, {transform_indices = @transform_1, window_bounds = array<i64: 128, 512>}, {transform_indices = @transform_2, window_bounds = array<i64: 16, 512>}]} {
    %get3A = arith.constant 0 : index
    %get3A_0 = arith.constant 0 : index
    %get3A_1 = vector.load %arg1[%get3A, %get3A_0] : memref<128x512xi32, #tpu.memory_space<vmem>>, vector<128x512xi32>
    %bitcast_convert_type3A = tpu.bitcast %get3A_1 : vector<128x512xi32> -> vector<128x512xi32>
    %shift_left3A = arith.constant 16 : i32
    %shift_left3A_2 = vector.broadcast %shift_left3A : i32 to vector<128x512xi32>
    %shift_left3A_3 = arith.shli %bitcast_convert_type3A, %shift_left3A_2 : vector<128x512xi32>
    %bitcast_convert_type3A_4 = tpu.bitcast %shift_left3A_3 : vector<128x512xi32> -> vector<128x512xf32>
    %and3A = arith.constant -65536 : i32
    %and3A_5 = vector.broadcast %and3A : i32 to vector<128x512xi32>
    %and3A_6 = arith.andi %bitcast_convert_type3A, %and3A_5 : vector<128x512xi32>
    %bitcast_convert_type3A_7 = tpu.bitcast %and3A_6 : vector<128x512xi32> -> vector<128x512xf32>
    %get3A_8 = arith.constant 0 : index
    %get3A_9 = arith.constant 0 : index
    %get3A_10 = vector.load %arg2[%get3A_8, %get3A_9] : memref<128x512xf32, #tpu.memory_space<vmem>>, vector<128x512xf32>
    %reduce_sum3A = arith.constant dense<0.000000e+00> : vector<512xf32>
    %reduce_sum3A_11 = vector.multi_reduction <add>, %bitcast_convert_type3A_4, %reduce_sum3A [0] : vector<128x512xf32> to vector<512xf32>
    %broadcast_in_dim3A = vector.shape_cast %reduce_sum3A_11 : vector<512xf32> to vector<1x512xf32>
    %mul3A = arith.constant 7.812500e-03 : f32
    %mul3A_12 = vector.broadcast %mul3A : f32 to vector<1x512xf32>
    %mul3A_13 = arith.mulf %broadcast_in_dim3A, %mul3A_12 : vector<1x512xf32>
    %reduce_sum3A_14 = arith.constant dense<0.000000e+00> : vector<512xf32>
    %reduce_sum3A_15 = vector.multi_reduction <add>, %bitcast_convert_type3A_7, %reduce_sum3A_14 [0] : vector<128x512xf32> to vector<512xf32>
    %broadcast_in_dim3A_16 = vector.shape_cast %reduce_sum3A_15 : vector<512xf32> to vector<1x512xf32>
    %mul3A_17 = arith.constant 7.812500e-03 : f32
    %mul3A_18 = vector.broadcast %mul3A_17 : f32 to vector<1x512xf32>
    %mul3A_19 = arith.mulf %broadcast_in_dim3A_16, %mul3A_18 : vector<1x512xf32>
    %reduce_sum3A_20 = arith.constant dense<0.000000e+00> : vector<512xf32>
    %reduce_sum3A_21 = vector.multi_reduction <add>, %get3A_10, %reduce_sum3A_20 [0] : vector<128x512xf32> to vector<512xf32>
    %broadcast_in_dim3A_22 = vector.shape_cast %reduce_sum3A_21 : vector<512xf32> to vector<1x512xf32>
    %mul3A_23 = arith.constant 7.812500e-03 : f32
    %mul3A_24 = vector.broadcast %mul3A_23 : f32 to vector<1x512xf32>
    %mul3A_25 = arith.mulf %broadcast_in_dim3A_22, %mul3A_24 : vector<1x512xf32>
    %sub3A = vector.broadcast %mul3A_13 : vector<1x512xf32> to vector<128x512xf32>
    %sub3A_26 = arith.subf %bitcast_convert_type3A_4, %sub3A : vector<128x512xf32>
    %sub3A_27 = vector.broadcast %mul3A_19 : vector<1x512xf32> to vector<128x512xf32>
    %sub3A_28 = arith.subf %bitcast_convert_type3A_7, %sub3A_27 : vector<128x512xf32>
    %sub3A_29 = vector.broadcast %mul3A_25 : vector<1x512xf32> to vector<128x512xf32>
    %sub3A_30 = arith.subf %get3A_10, %sub3A_29 : vector<128x512xf32>
    %mul3A_31 = arith.mulf %sub3A_26, %sub3A_26 : vector<128x512xf32>
    %reduce_sum3A_32 = arith.constant dense<0.000000e+00> : vector<512xf32>
    %reduce_sum3A_33 = vector.multi_reduction <add>, %mul3A_31, %reduce_sum3A_32 [0] : vector<128x512xf32> to vector<512xf32>
    %broadcast_in_dim3A_34 = vector.shape_cast %reduce_sum3A_33 : vector<512xf32> to vector<1x512xf32>
    %mul3A_35 = arith.mulf %sub3A_26, %sub3A_28 : vector<128x512xf32>
    %reduce_sum3A_36 = arith.constant dense<0.000000e+00> : vector<512xf32>
    %reduce_sum3A_37 = vector.multi_reduction <add>, %mul3A_35, %reduce_sum3A_36 [0] : vector<128x512xf32> to vector<512xf32>
    %broadcast_in_dim3A_38 = vector.shape_cast %reduce_sum3A_37 : vector<512xf32> to vector<1x512xf32>
    %mul3A_39 = arith.mulf %sub3A_26, %sub3A_30 : vector<128x512xf32>
    %reduce_sum3A_40 = arith.constant dense<0.000000e+00> : vector<512xf32>
    %reduce_sum3A_41 = vector.multi_reduction <add>, %mul3A_39, %reduce_sum3A_40 [0] : vector<128x512xf32> to vector<512xf32>
    %broadcast_in_dim3A_42 = vector.shape_cast %reduce_sum3A_41 : vector<512xf32> to vector<1x512xf32>
    %mul3A_43 = arith.mulf %sub3A_28, %sub3A_28 : vector<128x512xf32>
    %reduce_sum3A_44 = arith.constant dense<0.000000e+00> : vector<512xf32>
    %reduce_sum3A_45 = vector.multi_reduction <add>, %mul3A_43, %reduce_sum3A_44 [0] : vector<128x512xf32> to vector<512xf32>
    %broadcast_in_dim3A_46 = vector.shape_cast %reduce_sum3A_45 : vector<512xf32> to vector<1x512xf32>
    %mul3A_47 = arith.mulf %sub3A_28, %sub3A_30 : vector<128x512xf32>
    %reduce_sum3A_48 = arith.constant dense<0.000000e+00> : vector<512xf32>
    %reduce_sum3A_49 = vector.multi_reduction <add>, %mul3A_47, %reduce_sum3A_48 [0] : vector<128x512xf32> to vector<512xf32>
    %broadcast_in_dim3A_50 = vector.shape_cast %reduce_sum3A_49 : vector<512xf32> to vector<1x512xf32>
    %mul3A_51 = arith.mulf %sub3A_30, %sub3A_30 : vector<128x512xf32>
    %reduce_sum3A_52 = arith.constant dense<0.000000e+00> : vector<512xf32>
    %reduce_sum3A_53 = vector.multi_reduction <add>, %mul3A_51, %reduce_sum3A_52 [0] : vector<128x512xf32> to vector<512xf32>
    %broadcast_in_dim3A_54 = vector.shape_cast %reduce_sum3A_53 : vector<512xf32> to vector<1x512xf32>
    %add3A = arith.addf %broadcast_in_dim3A_34, %broadcast_in_dim3A_46 : vector<1x512xf32>
    %add3A_55 = arith.addf %add3A, %broadcast_in_dim3A_54 : vector<1x512xf32>
    %mul3A_56 = arith.constant 0.333333343 : f32
    %mul3A_57 = vector.broadcast %mul3A_56 : f32 to vector<1x512xf32>
    %mul3A_58 = arith.mulf %add3A_55, %mul3A_57 : vector<1x512xf32>
    %sub3A_59 = arith.subf %broadcast_in_dim3A_34, %mul3A_58 : vector<1x512xf32>
    %sub3A_60 = arith.subf %broadcast_in_dim3A_46, %mul3A_58 : vector<1x512xf32>
    %sub3A_61 = arith.subf %broadcast_in_dim3A_54, %mul3A_58 : vector<1x512xf32>
    %mul3A_62 = arith.mulf %sub3A_59, %sub3A_59 : vector<1x512xf32>
    %mul3A_63 = arith.mulf %sub3A_60, %sub3A_60 : vector<1x512xf32>
    %add3A_64 = arith.addf %mul3A_62, %mul3A_63 : vector<1x512xf32>
    %mul3A_65 = arith.mulf %sub3A_61, %sub3A_61 : vector<1x512xf32>
    %add3A_66 = arith.addf %add3A_64, %mul3A_65 : vector<1x512xf32>
    %mul3A_67 = arith.mulf %broadcast_in_dim3A_38, %broadcast_in_dim3A_38 : vector<1x512xf32>
    %mul3A_68 = arith.mulf %broadcast_in_dim3A_42, %broadcast_in_dim3A_42 : vector<1x512xf32>
    %add3A_69 = arith.addf %mul3A_67, %mul3A_68 : vector<1x512xf32>
    %mul3A_70 = arith.mulf %broadcast_in_dim3A_50, %broadcast_in_dim3A_50 : vector<1x512xf32>
    %add3A_71 = arith.addf %add3A_69, %mul3A_70 : vector<1x512xf32>
    %mul3A_72 = arith.constant 2.000000e+00 : f32
    %mul3A_73 = vector.broadcast %mul3A_72 : f32 to vector<1x512xf32>
    %mul3A_74 = arith.mulf %mul3A_73, %add3A_71 : vector<1x512xf32>
    %add3A_75 = arith.addf %add3A_66, %mul3A_74 : vector<1x512xf32>
    %mul3A_76 = arith.constant 0.166666672 : f32
    %mul3A_77 = vector.broadcast %mul3A_76 : f32 to vector<1x512xf32>
    %mul3A_78 = arith.mulf %add3A_75, %mul3A_77 : vector<1x512xf32>
    %sqrt3A = math.sqrt %mul3A_78 : vector<1x512xf32>
    %max3A = arith.constant 1.000000e-30 : f32
    %max3A_79 = vector.broadcast %max3A : f32 to vector<1x512xf32>
    %max3A_80 = arith.maximumf %sqrt3A, %max3A_79 : vector<1x512xf32>
    %mul3A_81 = arith.mulf %sub3A_60, %sub3A_61 : vector<1x512xf32>
    %mul3A_82 = arith.mulf %broadcast_in_dim3A_50, %broadcast_in_dim3A_50 : vector<1x512xf32>
    %sub3A_83 = arith.subf %mul3A_81, %mul3A_82 : vector<1x512xf32>
    %mul3A_84 = arith.mulf %sub3A_59, %sub3A_83 : vector<1x512xf32>
    %mul3A_85 = arith.mulf %broadcast_in_dim3A_38, %sub3A_61 : vector<1x512xf32>
    %mul3A_86 = arith.mulf %broadcast_in_dim3A_50, %broadcast_in_dim3A_42 : vector<1x512xf32>
    %sub3A_87 = arith.subf %mul3A_85, %mul3A_86 : vector<1x512xf32>
    %mul3A_88 = arith.mulf %broadcast_in_dim3A_38, %sub3A_87 : vector<1x512xf32>
    %sub3A_89 = arith.subf %mul3A_84, %mul3A_88 : vector<1x512xf32>
    %mul3A_90 = arith.mulf %broadcast_in_dim3A_38, %broadcast_in_dim3A_50 : vector<1x512xf32>
    %mul3A_91 = arith.mulf %sub3A_60, %broadcast_in_dim3A_42 : vector<1x512xf32>
    %sub3A_92 = arith.subf %mul3A_90, %mul3A_91 : vector<1x512xf32>
    %mul3A_93 = arith.mulf %broadcast_in_dim3A_42, %sub3A_92 : vector<1x512xf32>
    %add3A_94 = arith.addf %sub3A_89, %mul3A_93 : vector<1x512xf32>
    %mul3A_95 = arith.constant 5.000000e-01 : f32
    %mul3A_96 = vector.broadcast %mul3A_95 : f32 to vector<1x512xf32>
    %mul3A_97 = arith.mulf %mul3A_96, %add3A_94 : vector<1x512xf32>
    %mul3A_98 = arith.mulf %max3A_80, %max3A_80 : vector<1x512xf32>
    %mul3A_99 = arith.mulf %mul3A_98, %max3A_80 : vector<1x512xf32>
    %div3A = arith.divf %mul3A_97, %mul3A_99 : vector<1x512xf32>
    %jit3A = arith.constant -1.000000e+00 : f32
    %jit3A_100 = arith.constant 1.000000e+00 : f32
    %max3A_101 = vector.broadcast %jit3A : f32 to vector<1x512xf32>
    %max3A_102 = arith.maximumf %max3A_101, %div3A : vector<1x512xf32>
    %min3A = vector.broadcast %jit3A_100 : f32 to vector<1x512xf32>
    %min3A_103 = arith.minimumf %min3A, %max3A_102 : vector<1x512xf32>
    %abs3A = math.absf %min3A_103 : vector<1x512xf32>
    %mul3A_104 = arith.constant -0.0012624911 : f32
    %mul3A_105 = vector.broadcast %mul3A_104 : f32 to vector<1x512xf32>
    %mul3A_106 = arith.mulf %abs3A, %mul3A_105 : vector<1x512xf32>
    %add3A_107 = arith.constant 6.670090e-03 : f32
    %add3A_108 = vector.broadcast %add3A_107 : f32 to vector<1x512xf32>
    %add3A_109 = arith.addf %add3A_108, %mul3A_106 : vector<1x512xf32>
    %mul3A_110 = arith.mulf %abs3A, %add3A_109 : vector<1x512xf32>
    %add3A_111 = arith.constant -0.0170881264 : f32
    %add3A_112 = vector.broadcast %add3A_111 : f32 to vector<1x512xf32>
    %add3A_113 = arith.addf %add3A_112, %mul3A_110 : vector<1x512xf32>
    %mul3A_114 = arith.mulf %abs3A, %add3A_113 : vector<1x512xf32>
    %add3A_115 = arith.constant 0.0308918804 : f32
    %add3A_116 = vector.broadcast %add3A_115 : f32 to vector<1x512xf32>
    %add3A_117 = arith.addf %add3A_116, %mul3A_114 : vector<1x512xf32>
    %mul3A_118 = arith.mulf %abs3A, %add3A_117 : vector<1x512xf32>
    %add3A_119 = arith.constant -0.0501743034 : f32
    %add3A_120 = vector.broadcast %add3A_119 : f32 to vector<1x512xf32>
    %add3A_121 = arith.addf %add3A_120, %mul3A_118 : vector<1x512xf32>
    %mul3A_122 = arith.mulf %abs3A, %add3A_121 : vector<1x512xf32>
    %add3A_123 = arith.constant 0.0889789909 : f32
    %add3A_124 = vector.broadcast %add3A_123 : f32 to vector<1x512xf32>
    %add3A_125 = arith.addf %add3A_124, %mul3A_122 : vector<1x512xf32>
    %mul3A_126 = arith.mulf %abs3A, %add3A_125 : vector<1x512xf32>
    %add3A_127 = arith.constant -0.214598805 : f32
    %add3A_128 = vector.broadcast %add3A_127 : f32 to vector<1x512xf32>
    %add3A_129 = arith.addf %add3A_128, %mul3A_126 : vector<1x512xf32>
    %mul3A_130 = arith.mulf %abs3A, %add3A_129 : vector<1x512xf32>
    %add3A_131 = arith.constant 1.57079625 : f32
    %add3A_132 = vector.broadcast %add3A_131 : f32 to vector<1x512xf32>
    %add3A_133 = arith.addf %add3A_132, %mul3A_130 : vector<1x512xf32>
    %sub3A_134 = arith.constant 1.000000e+00 : f32
    %sub3A_135 = vector.broadcast %sub3A_134 : f32 to vector<1x512xf32>
    %sub3A_136 = arith.subf %sub3A_135, %abs3A : vector<1x512xf32>
    %max3A_137 = arith.constant 0.000000e+00 : f32
    %max3A_138 = vector.broadcast %max3A_137 : f32 to vector<1x512xf32>
    %max3A_139 = arith.maximumf %sub3A_136, %max3A_138 : vector<1x512xf32>
    %sqrt3A_140 = math.sqrt %max3A_139 : vector<1x512xf32>
    %mul3A_141 = arith.mulf %sqrt3A_140, %add3A_133 : vector<1x512xf32>
    %ge3A = arith.constant 0.000000e+00 : f32
    %ge3A_142 = vector.broadcast %ge3A : f32 to vector<1x512xf32>
    %ge3A_143 = arith.cmpf oge, %min3A_103, %ge3A_142 : vector<1x512xf32>
    %sub3A_144 = arith.constant 3.14159274 : f32
    %sub3A_145 = vector.broadcast %sub3A_144 : f32 to vector<1x512xf32>
    %sub3A_146 = arith.subf %sub3A_145, %mul3A_141 : vector<1x512xf32>
    %select_n3A = arith.select %ge3A_143, %mul3A_141, %sub3A_146 : vector<1x512xi1>, vector<1x512xf32>
    %mul3A_147 = arith.constant 0.333333343 : f32
    %mul3A_148 = vector.broadcast %mul3A_147 : f32 to vector<1x512xf32>
    %mul3A_149 = arith.mulf %select_n3A, %mul3A_148 : vector<1x512xf32>
    %mul3A_150 = arith.mulf %mul3A_149, %mul3A_149 : vector<1x512xf32>
    %mul3A_151 = arith.constant 2.48015876E-5 : f32
    %mul3A_152 = vector.broadcast %mul3A_151 : f32 to vector<1x512xf32>
    %mul3A_153 = arith.mulf %mul3A_150, %mul3A_152 : vector<1x512xf32>
    %add3A_154 = arith.constant -0.00138888892 : f32
    %add3A_155 = vector.broadcast %add3A_154 : f32 to vector<1x512xf32>
    %add3A_156 = arith.addf %add3A_155, %mul3A_153 : vector<1x512xf32>
    %mul3A_157 = arith.mulf %mul3A_150, %add3A_156 : vector<1x512xf32>
    %add3A_158 = arith.constant 0.0416666679 : f32
    %add3A_159 = vector.broadcast %add3A_158 : f32 to vector<1x512xf32>
    %add3A_160 = arith.addf %add3A_159, %mul3A_157 : vector<1x512xf32>
    %mul3A_161 = arith.mulf %mul3A_150, %add3A_160 : vector<1x512xf32>
    %add3A_162 = arith.constant -5.000000e-01 : f32
    %add3A_163 = vector.broadcast %add3A_162 : f32 to vector<1x512xf32>
    %add3A_164 = arith.addf %add3A_163, %mul3A_161 : vector<1x512xf32>
    %mul3A_165 = arith.mulf %mul3A_150, %add3A_164 : vector<1x512xf32>
    %add3A_166 = arith.constant 1.000000e+00 : f32
    %add3A_167 = vector.broadcast %add3A_166 : f32 to vector<1x512xf32>
    %add3A_168 = arith.addf %add3A_167, %mul3A_165 : vector<1x512xf32>
    %mul3A_169 = arith.constant 2.75573188E-6 : f32
    %mul3A_170 = vector.broadcast %mul3A_169 : f32 to vector<1x512xf32>
    %mul3A_171 = arith.mulf %mul3A_150, %mul3A_170 : vector<1x512xf32>
    %add3A_172 = arith.constant -1.98412701E-4 : f32
    %add3A_173 = vector.broadcast %add3A_172 : f32 to vector<1x512xf32>
    %add3A_174 = arith.addf %add3A_173, %mul3A_171 : vector<1x512xf32>
    %mul3A_175 = arith.mulf %mul3A_150, %add3A_174 : vector<1x512xf32>
    %add3A_176 = arith.constant 0.00833333377 : f32
    %add3A_177 = vector.broadcast %add3A_176 : f32 to vector<1x512xf32>
    %add3A_178 = arith.addf %add3A_177, %mul3A_175 : vector<1x512xf32>
    %mul3A_179 = arith.mulf %mul3A_150, %add3A_178 : vector<1x512xf32>
    %add3A_180 = arith.constant -0.166666672 : f32
    %add3A_181 = vector.broadcast %add3A_180 : f32 to vector<1x512xf32>
    %add3A_182 = arith.addf %add3A_181, %mul3A_179 : vector<1x512xf32>
    %mul3A_183 = arith.mulf %mul3A_150, %add3A_182 : vector<1x512xf32>
    %add3A_184 = arith.constant 1.000000e+00 : f32
    %add3A_185 = vector.broadcast %add3A_184 : f32 to vector<1x512xf32>
    %add3A_186 = arith.addf %add3A_185, %mul3A_183 : vector<1x512xf32>
    %mul3A_187 = arith.mulf %mul3A_149, %add3A_186 : vector<1x512xf32>
    %mul3A_188 = arith.constant 2.000000e+00 : f32
    %mul3A_189 = vector.broadcast %mul3A_188 : f32 to vector<1x512xf32>
    %mul3A_190 = arith.mulf %mul3A_189, %sqrt3A : vector<1x512xf32>
    %mul3A_191 = arith.mulf %mul3A_190, %add3A_168 : vector<1x512xf32>
    %add3A_192 = arith.addf %mul3A_58, %mul3A_191 : vector<1x512xf32>
    %mul3A_193 = arith.constant 2.000000e+00 : f32
    %mul3A_194 = vector.broadcast %mul3A_193 : f32 to vector<1x512xf32>
    %mul3A_195 = arith.mulf %mul3A_194, %sqrt3A : vector<1x512xf32>
    %mul3A_196 = arith.constant -5.000000e-01 : f32
    %mul3A_197 = vector.broadcast %mul3A_196 : f32 to vector<1x512xf32>
    %mul3A_198 = arith.mulf %mul3A_197, %add3A_168 : vector<1x512xf32>
    %mul3A_199 = arith.constant 0.866025388 : f32
    %mul3A_200 = vector.broadcast %mul3A_199 : f32 to vector<1x512xf32>
    %mul3A_201 = arith.mulf %mul3A_200, %mul3A_187 : vector<1x512xf32>
    %sub3A_202 = arith.subf %mul3A_198, %mul3A_201 : vector<1x512xf32>
    %mul3A_203 = arith.mulf %mul3A_195, %sub3A_202 : vector<1x512xf32>
    %add3A_204 = arith.addf %mul3A_58, %mul3A_203 : vector<1x512xf32>
    %mul3A_205 = arith.constant 3.000000e+00 : f32
    %mul3A_206 = vector.broadcast %mul3A_205 : f32 to vector<1x512xf32>
    %mul3A_207 = arith.mulf %mul3A_206, %mul3A_58 : vector<1x512xf32>
    %sub3A_208 = arith.subf %mul3A_207, %add3A_192 : vector<1x512xf32>
    %sub3A_209 = arith.subf %sub3A_208, %add3A_204 : vector<1x512xf32>
    %eq3A = arith.constant 0.000000e+00 : f32
    %eq3A_210 = vector.broadcast %eq3A : f32 to vector<1x512xf32>
    %eq3A_211 = arith.cmpf oeq, %add3A_192, %eq3A_210 : vector<1x512xf32>
    %div3A_212 = arith.divf %sub3A_209, %add3A_192 : vector<1x512xf32>
    %sub3A_213 = arith.constant 1.000000e+00 : f32
    %sub3A_214 = vector.broadcast %sub3A_213 : f32 to vector<1x512xf32>
    %sub3A_215 = arith.subf %sub3A_214, %div3A_212 : vector<1x512xf32>
    %jit3A_216 = arith.constant 0.000000e+00 : f32
    %broadcast_in_dim3A_217 = vector.broadcast %jit3A_216 : f32 to vector<1x512xf32>
    %select_n3A_218 = arith.select %eq3A_211, %broadcast_in_dim3A_217, %sub3A_215 : vector<1x512xi1>, vector<1x512xf32>
    %mul3A_219 = arith.mulf %broadcast_in_dim3A_34, %broadcast_in_dim3A_34 : vector<1x512xf32>
    %mul3A_220 = arith.mulf %broadcast_in_dim3A_38, %broadcast_in_dim3A_38 : vector<1x512xf32>
    %add3A_221 = arith.addf %mul3A_219, %mul3A_220 : vector<1x512xf32>
    %mul3A_222 = arith.mulf %broadcast_in_dim3A_42, %broadcast_in_dim3A_42 : vector<1x512xf32>
    %add3A_223 = arith.addf %add3A_221, %mul3A_222 : vector<1x512xf32>
    %mul3A_224 = arith.mulf %broadcast_in_dim3A_34, %broadcast_in_dim3A_38 : vector<1x512xf32>
    %mul3A_225 = arith.mulf %broadcast_in_dim3A_38, %broadcast_in_dim3A_46 : vector<1x512xf32>
    %add3A_226 = arith.addf %mul3A_224, %mul3A_225 : vector<1x512xf32>
    %mul3A_227 = arith.mulf %broadcast_in_dim3A_42, %broadcast_in_dim3A_50 : vector<1x512xf32>
    %add3A_228 = arith.addf %add3A_226, %mul3A_227 : vector<1x512xf32>
    %mul3A_229 = arith.mulf %broadcast_in_dim3A_34, %broadcast_in_dim3A_42 : vector<1x512xf32>
    %mul3A_230 = arith.mulf %broadcast_in_dim3A_38, %broadcast_in_dim3A_50 : vector<1x512xf32>
    %add3A_231 = arith.addf %mul3A_229, %mul3A_230 : vector<1x512xf32>
    %mul3A_232 = arith.mulf %broadcast_in_dim3A_42, %broadcast_in_dim3A_54 : vector<1x512xf32>
    %add3A_233 = arith.addf %add3A_231, %mul3A_232 : vector<1x512xf32>
    %mul3A_234 = arith.mulf %broadcast_in_dim3A_38, %broadcast_in_dim3A_38 : vector<1x512xf32>
    %mul3A_235 = arith.mulf %broadcast_in_dim3A_46, %broadcast_in_dim3A_46 : vector<1x512xf32>
    %add3A_236 = arith.addf %mul3A_234, %mul3A_235 : vector<1x512xf32>
    %mul3A_237 = arith.mulf %broadcast_in_dim3A_50, %broadcast_in_dim3A_50 : vector<1x512xf32>
    %add3A_238 = arith.addf %add3A_236, %mul3A_237 : vector<1x512xf32>
    %mul3A_239 = arith.mulf %broadcast_in_dim3A_38, %broadcast_in_dim3A_42 : vector<1x512xf32>
    %mul3A_240 = arith.mulf %broadcast_in_dim3A_46, %broadcast_in_dim3A_50 : vector<1x512xf32>
    %add3A_241 = arith.addf %mul3A_239, %mul3A_240 : vector<1x512xf32>
    %mul3A_242 = arith.mulf %broadcast_in_dim3A_50, %broadcast_in_dim3A_54 : vector<1x512xf32>
    %add3A_243 = arith.addf %add3A_241, %mul3A_242 : vector<1x512xf32>
    %mul3A_244 = arith.mulf %broadcast_in_dim3A_42, %broadcast_in_dim3A_42 : vector<1x512xf32>
    %mul3A_245 = arith.mulf %broadcast_in_dim3A_50, %broadcast_in_dim3A_50 : vector<1x512xf32>
    %add3A_246 = arith.addf %mul3A_244, %mul3A_245 : vector<1x512xf32>
    %mul3A_247 = arith.mulf %broadcast_in_dim3A_54, %broadcast_in_dim3A_54 : vector<1x512xf32>
    %add3A_248 = arith.addf %add3A_246, %mul3A_247 : vector<1x512xf32>
    %add3A_249 = arith.addf %add3A_204, %sub3A_209 : vector<1x512xf32>
    %mul3A_250 = arith.mulf %add3A_204, %sub3A_209 : vector<1x512xf32>
    %mul3A_251 = arith.mulf %add3A_249, %broadcast_in_dim3A_34 : vector<1x512xf32>
    %sub3A_252 = arith.subf %add3A_223, %mul3A_251 : vector<1x512xf32>
    %add3A_253 = arith.addf %sub3A_252, %mul3A_250 : vector<1x512xf32>
    %mul3A_254 = arith.mulf %add3A_249, %broadcast_in_dim3A_38 : vector<1x512xf32>
    %sub3A_255 = arith.subf %add3A_228, %mul3A_254 : vector<1x512xf32>
    %mul3A_256 = arith.mulf %add3A_249, %broadcast_in_dim3A_42 : vector<1x512xf32>
    %sub3A_257 = arith.subf %add3A_233, %mul3A_256 : vector<1x512xf32>
    %mul3A_258 = arith.mulf %add3A_249, %broadcast_in_dim3A_46 : vector<1x512xf32>
    %sub3A_259 = arith.subf %add3A_238, %mul3A_258 : vector<1x512xf32>
    %add3A_260 = arith.addf %sub3A_259, %mul3A_250 : vector<1x512xf32>
    %mul3A_261 = arith.mulf %add3A_249, %broadcast_in_dim3A_50 : vector<1x512xf32>
    %sub3A_262 = arith.subf %add3A_243, %mul3A_261 : vector<1x512xf32>
    %mul3A_263 = arith.mulf %add3A_249, %broadcast_in_dim3A_54 : vector<1x512xf32>
    %sub3A_264 = arith.subf %add3A_248, %mul3A_263 : vector<1x512xf32>
    %add3A_265 = arith.addf %sub3A_264, %mul3A_250 : vector<1x512xf32>
    %mul3A_266 = arith.mulf %add3A_253, %add3A_253 : vector<1x512xf32>
    %mul3A_267 = arith.mulf %sub3A_255, %sub3A_255 : vector<1x512xf32>
    %add3A_268 = arith.addf %mul3A_266, %mul3A_267 : vector<1x512xf32>
    %mul3A_269 = arith.mulf %sub3A_257, %sub3A_257 : vector<1x512xf32>
    %add3A_270 = arith.addf %add3A_268, %mul3A_269 : vector<1x512xf32>
    %mul3A_271 = arith.mulf %sub3A_255, %sub3A_255 : vector<1x512xf32>
    %mul3A_272 = arith.mulf %add3A_260, %add3A_260 : vector<1x512xf32>
    %add3A_273 = arith.addf %mul3A_271, %mul3A_272 : vector<1x512xf32>
    %mul3A_274 = arith.mulf %sub3A_262, %sub3A_262 : vector<1x512xf32>
    %add3A_275 = arith.addf %add3A_273, %mul3A_274 : vector<1x512xf32>
    %mul3A_276 = arith.mulf %sub3A_257, %sub3A_257 : vector<1x512xf32>
    %mul3A_277 = arith.mulf %sub3A_262, %sub3A_262 : vector<1x512xf32>
    %add3A_278 = arith.addf %mul3A_276, %mul3A_277 : vector<1x512xf32>
    %mul3A_279 = arith.mulf %add3A_265, %add3A_265 : vector<1x512xf32>
    %add3A_280 = arith.addf %add3A_278, %mul3A_279 : vector<1x512xf32>
    %ge3A_281 = arith.cmpf oge, %add3A_270, %add3A_275 : vector<1x512xf32>
    %ge3A_282 = arith.cmpf oge, %add3A_270, %add3A_280 : vector<1x512xf32>
    %and3A_283 = arith.andi %ge3A_281, %ge3A_282 : vector<1x512xi1>
    %not3A = arith.constant dense<true> : vector<1x512xi1>
    %not3A_284 = arith.xori %and3A_283, %not3A : vector<1x512xi1>
    %ge3A_285 = arith.cmpf oge, %add3A_275, %add3A_280 : vector<1x512xf32>
    %and3A_286 = arith.andi %not3A_284, %ge3A_285 : vector<1x512xi1>
    %select_n3A_287 = arith.select %and3A_286, %sub3A_255, %sub3A_257 : vector<1x512xi1>, vector<1x512xf32>
    %select_n3A_288 = arith.select %and3A_283, %add3A_253, %select_n3A_287 : vector<1x512xi1>, vector<1x512xf32>
    %select_n3A_289 = arith.select %and3A_286, %add3A_260, %sub3A_262 : vector<1x512xi1>, vector<1x512xf32>
    %select_n3A_290 = arith.select %and3A_283, %sub3A_255, %select_n3A_289 : vector<1x512xi1>, vector<1x512xf32>
    %select_n3A_291 = arith.select %and3A_286, %sub3A_262, %add3A_265 : vector<1x512xi1>, vector<1x512xf32>
    %select_n3A_292 = arith.select %and3A_283, %sub3A_257, %select_n3A_291 : vector<1x512xi1>, vector<1x512xf32>
    %mul3A_293 = arith.mulf %select_n3A_288, %select_n3A_288 : vector<1x512xf32>
    %mul3A_294 = arith.mulf %select_n3A_290, %select_n3A_290 : vector<1x512xf32>
    %add3A_295 = arith.addf %mul3A_293, %mul3A_294 : vector<1x512xf32>
    %mul3A_296 = arith.mulf %select_n3A_292, %select_n3A_292 : vector<1x512xf32>
    %add3A_297 = arith.addf %add3A_295, %mul3A_296 : vector<1x512xf32>
    %sqrt3A_298 = math.sqrt %add3A_297 : vector<1x512xf32>
    %gt3A = arith.constant 0.000000e+00 : f32
    %gt3A_299 = vector.broadcast %gt3A : f32 to vector<1x512xf32>
    %gt3A_300 = arith.cmpf ogt, %sqrt3A_298, %gt3A_299 : vector<1x512xf32>
    %div3A_301 = arith.constant 1.000000e+00 : f32
    %div3A_302 = vector.broadcast %div3A_301 : f32 to vector<1x512xf32>
    %div3A_303 = arith.divf %div3A_302, %sqrt3A_298 : vector<1x512xf32>
    %jit3A_304 = arith.constant 0.000000e+00 : f32
    %broadcast_in_dim3A_305 = vector.broadcast %jit3A_304 : f32 to vector<1x512xf32>
    %select_n3A_306 = arith.select %gt3A_300, %div3A_303, %broadcast_in_dim3A_305 : vector<1x512xi1>, vector<1x512xf32>
    %mul3A_307 = arith.mulf %select_n3A_288, %select_n3A_306 : vector<1x512xf32>
    %mul3A_308 = arith.mulf %select_n3A_290, %select_n3A_306 : vector<1x512xf32>
    %mul3A_309 = arith.mulf %select_n3A_292, %select_n3A_306 : vector<1x512xf32>
    %mul3A_310 = vector.broadcast %mul3A_307 : vector<1x512xf32> to vector<128x512xf32>
    %mul3A_311 = arith.mulf %sub3A_26, %mul3A_310 : vector<128x512xf32>
    %mul3A_312 = vector.broadcast %mul3A_308 : vector<1x512xf32> to vector<128x512xf32>
    %mul3A_313 = arith.mulf %sub3A_28, %mul3A_312 : vector<128x512xf32>
    %add3A_314 = arith.addf %mul3A_311, %mul3A_313 : vector<128x512xf32>
    %mul3A_315 = vector.broadcast %mul3A_309 : vector<1x512xf32> to vector<128x512xf32>
    %mul3A_316 = arith.mulf %sub3A_30, %mul3A_315 : vector<128x512xf32>
    %add3A_317 = arith.addf %add3A_314, %mul3A_316 : vector<128x512xf32>
    %mul3A_318 = vector.broadcast %mul3A_307 : vector<1x512xf32> to vector<128x512xf32>
    %mul3A_319 = arith.mulf %add3A_317, %mul3A_318 : vector<128x512xf32>
    %sub3A_320 = arith.subf %sub3A_26, %mul3A_319 : vector<128x512xf32>
    %mul3A_321 = vector.broadcast %mul3A_308 : vector<1x512xf32> to vector<128x512xf32>
    %mul3A_322 = arith.mulf %add3A_317, %mul3A_321 : vector<128x512xf32>
    %sub3A_323 = arith.subf %sub3A_28, %mul3A_322 : vector<128x512xf32>
    %mul3A_324 = vector.broadcast %mul3A_309 : vector<1x512xf32> to vector<128x512xf32>
    %mul3A_325 = arith.mulf %add3A_317, %mul3A_324 : vector<128x512xf32>
    %sub3A_326 = arith.subf %sub3A_30, %mul3A_325 : vector<128x512xf32>
    %mul3A_327 = arith.mulf %sub3A_320, %sub3A_320 : vector<128x512xf32>
    %mul3A_328 = arith.mulf %sub3A_323, %sub3A_323 : vector<128x512xf32>
    %add3A_329 = arith.addf %mul3A_327, %mul3A_328 : vector<128x512xf32>
    %mul3A_330 = arith.mulf %sub3A_326, %sub3A_326 : vector<128x512xf32>
    %add3A_331 = arith.addf %add3A_329, %mul3A_330 : vector<128x512xf32>
    %sqrt3A_332 = math.sqrt %add3A_331 : vector<128x512xf32>
    %mul3A_333 = arith.mulf %add3A_317, %sqrt3A_332 : vector<128x512xf32>
    %reduce_sum3A_334 = arith.constant dense<0.000000e+00> : vector<512xf32>
    %reduce_sum3A_335 = vector.multi_reduction <add>, %mul3A_333, %reduce_sum3A_334 [0] : vector<128x512xf32> to vector<512xf32>
    %broadcast_in_dim3A_336 = vector.shape_cast %reduce_sum3A_335 : vector<512xf32> to vector<1x512xf32>
    %lt3A = arith.constant 0.000000e+00 : f32
    %lt3A_337 = vector.broadcast %lt3A : f32 to vector<1x512xf32>
    %lt3A_338 = arith.cmpf olt, %broadcast_in_dim3A_336, %lt3A_337 : vector<1x512xf32>
    %jit3A_339 = arith.constant -1.000000e+00 : f32
    %jit3A_340 = arith.constant 1.000000e+00 : f32
    %broadcast_in_dim3A_341 = vector.broadcast %jit3A_339 : f32 to vector<1x512xf32>
    %broadcast_in_dim3A_342 = vector.broadcast %jit3A_340 : f32 to vector<1x512xf32>
    %select_n3A_343 = arith.select %lt3A_338, %broadcast_in_dim3A_341, %broadcast_in_dim3A_342 : vector<1x512xi1>, vector<1x512xf32>
    %mul3A_344 = arith.mulf %select_n3A_343, %select_n3A_218 : vector<1x512xf32>
    %mul3A_345 = arith.mulf %mul3A_307, %mul3A_344 : vector<1x512xf32>
    %mul3A_346 = arith.mulf %mul3A_308, %mul3A_344 : vector<1x512xf32>
    %mul3A_347 = arith.mulf %mul3A_309, %mul3A_344 : vector<1x512xf32>
    %div3A_348 = arith.constant 1.000000e+00 : f32
    %div3A_349 = vector.broadcast %div3A_348 : f32 to vector<1x512xf32>
    %div3A_350 = arith.divf %div3A_349, %add3A_192 : vector<1x512xf32>
    %broadcast_in_dim3A_351 = arith.constant 1.280000e+02 : f32
    %broadcast_in_dim3A_352 = vector.broadcast %broadcast_in_dim3A_351 : f32 to vector<1x512xf32>
    %mul3A_353 = arith.mulf %broadcast_in_dim3A_34, %div3A_350 : vector<1x512xf32>
    %mul3A_354 = arith.mulf %broadcast_in_dim3A_38, %div3A_350 : vector<1x512xf32>
    %mul3A_355 = arith.mulf %broadcast_in_dim3A_42, %div3A_350 : vector<1x512xf32>
    %mul3A_356 = arith.mulf %broadcast_in_dim3A_38, %div3A_350 : vector<1x512xf32>
    %mul3A_357 = arith.mulf %broadcast_in_dim3A_46, %div3A_350 : vector<1x512xf32>
    %mul3A_358 = arith.mulf %broadcast_in_dim3A_50, %div3A_350 : vector<1x512xf32>
    %mul3A_359 = arith.mulf %broadcast_in_dim3A_42, %div3A_350 : vector<1x512xf32>
    %mul3A_360 = arith.mulf %broadcast_in_dim3A_50, %div3A_350 : vector<1x512xf32>
    %mul3A_361 = arith.mulf %broadcast_in_dim3A_54, %div3A_350 : vector<1x512xf32>
    %concatenate3A = tpu.concatenate %mul3A_13, %mul3A_19, %mul3A_25, %mul3A_353, %mul3A_354, %mul3A_355, %mul3A_356, %mul3A_357, %mul3A_358, %mul3A_359, %mul3A_360, %mul3A_361, %mul3A_345, %mul3A_346, %mul3A_347, %broadcast_in_dim3A_352 in 0 : vector<1x512xf32>, vector<1x512xf32>, vector<1x512xf32>, vector<1x512xf32>, vector<1x512xf32>, vector<1x512xf32>, vector<1x512xf32>, vector<1x512xf32>, vector<1x512xf32>, vector<1x512xf32>, vector<1x512xf32>, vector<1x512xf32>, vector<1x512xf32>, vector<1x512xf32>, vector<1x512xf32>, vector<1x512xf32> -> vector<16x512xf32>
    %swap3A = arith.constant 0 : index
    %swap3A_362 = arith.constant 0 : index
    %swap3A_363 = vector.load %arg3[%swap3A, %swap3A_362] : memref<16x512xf32, #tpu.memory_space<vmem>>, vector<16x512xf32>
    tpu.vector_store %arg3[%swap3A, %swap3A_362], %concatenate3A {strides = array<i32>} : memref<16x512xf32, #tpu.memory_space<vmem>>, vector<16x512xf32>,
    return
  }
  func.func @transform_0(%arg0: i32) -> (i32, i32) {
    %c0_i32 = arith.constant 0 : i32
    %c0_i32_0 = arith.constant 0 : i32
    return %c0_i32, %arg0 : i32, i32
  }
  func.func @transform_1(%arg0: i32) -> (i32, i32) {
    %c0_i32 = arith.constant 0 : i32
    %c0_i32_0 = arith.constant 0 : i32
    return %c0_i32, %arg0 : i32, i32
  }
  func.func @transform_2(%arg0: i32) -> (i32, i32) {
    %c0_i32 = arith.constant 0 : i32
    %c0_i32_0 = arith.constant 0 : i32
    return %c0_i32, %arg0 : i32, i32
  }
}

</mosaic_0001>

<sc_bundles>
// kernel: kernel.4.cloned.1.call-start
scs
__scs_entry_jumppad:
0x0: {  	(pc) =	sbr.rel $0x88, $3  }
0x1: {  	(tag) =	ssettag $0x0;
	lr =	simm.s32 $0x1  }
0x2: {  	[smem:$0x3F9F] =	sst lr;
	_ =	strace $0xD0000000  }
0x3: {  	_ = 	snop  }
0x4: {  	_ = 	snop  }
0x5: {  	_ = 	snop  }
0x6: {  	_ = 	snop  }
0x7: {  	_ = 	snop  }
__scs_overlays_trampoline_lowered:
0x8: {  	[smem:$0x3FAE] =	sst s0  }
0x9: {  	[smem:$0x3FAF] =	sst s1  }
0xa: {  	[smem:$0x3FB0] =	sst s2  }
0xb: {  	[smem:$0x3FB1] =	sst s3  }
0xc: {  	[smem:$0x3FB2] =	sst s4  }
0xd: {  	[smem:$0x3FB3] =	sst s5  }
0xe: {  	[smem:$0x3FB4] =	sst s6  }
0xf: {  	[smem:$0x3FB5] =	sst s7  }
0x10: {  	[smem:$0x3FB6] =	sst s8  }
0x11: {  	[smem:$0x3FB7] =	sst s9;
	s0 =	simm.s32 @!p0 $0x0  }
0x12: {  	s1 =	sld [smem:$0x3F9D];
	s0 =	simm.s32 @p0 $0x1  }
0x13: {  	[smem:$0x3FB8] =	sst s0;
	s0 =	simm.s32 @!p1 $0x0  }
0x14: {  	s2 =	sld [smem:$0x3F9C];
	s0 =	simm.s32 @p1 $0x1  }
0x15: {  	[smem:$0x3FB9] =	sst s0;
	s0 =	simm.s32 @!p2 $0x0  }
0x16: {  	s3 =	sld [smem:$0x3FDB];
	s0 =	simm.s32 @p2 $0x1  }
0x17: {  	s4 =	simm.s32 $0x1BF5;
	[smem:$0x3FBB] =	sst s0  }
0x18: {  	s0 =	sld [smem:$0x3F9E];
	_ =	swait.ge [sflag:s4], $0x0  }
0x19: {  	s7 =	sld [smem:$0x3F9F]  }
0x1a: {  	s8 =	sadd.s32 $0xFFFFE003, lr  }
0x1b: {  	s9 =	sadd.s32 $0xFFFFFEF7, lr;
	s5 =	simm.s32 $0xFFFFFFFF;
	p2 =	slt.u32 s8, $0xFFFFF086  }
0x1c: {  	p1 =	slt.u32 s9, $0xF7A;
	s5 =	simm.s32 @!p2 $0x0  }
0x1d: {  	s5 =	simm.s32 @p1 $0x1;
	p0 =	seq.s32 s7, s2  }
0x1e: {  	s7 =	smul.u32 @!p0 $0xF7A, s2;
	p2 =	seq.s32 @!p0 s5, $0x0  }
0x1f: {  	s9 =	smul.u32 $0xF7A, s1;
	s8 =	simm.s32 @!p0 $0x1BF5;
	p2 =	por !p2, p0  }
0x20: {  	[sflag:s8] =	ssyncset.s32 @!p0 $0xFFFFF086;
	s6 =	sadd.s32 @!p0 s3, s7;
	s7 =	simm.s32 @!p0 $0x108  }
0x21: {  	s3 =	sadd.s32 s3, s9;
	s6 =	sadd.s32 @!p0 $0x88, s6;
	s7 =	simm.s32 @p2 $0x1082  }
0x22: {  	[simem:s7], [sflag:s8] =	dma.local @!p0 [hbm:s6], $0xF7A  }
0x23: {  	s9 =	sor.u32 $0xD0000000, s2;
	s6 =	simm.s32 $0x108;
	_ =	swait.ge @!p0 [sflag:s8], $0x0  }
0x24: {  	s3 =	sadd.s32 $0x88, s3;
	s6 =	simm.s32 @!p1 $0x1082;
	[sflag:s4] =	ssyncset.s32 $0xFFFFF086  }
0x25: {  	[simem:s6], [sflag:s4] =	dma.local [hbm:s3], $0xF7A  }
0x26: {  	[smem:$0x3F9F] =	sst s1;
	(tag) =	ssettag s2;
	_ =	strace s9  }
0x27: {  	s1 =	sld [smem:$0x3FAF]  }
0x28: {  	s2 =	sld [smem:$0x3FB0]  }
0x29: {  	s4 =	sld [smem:$0x3FB2]  }
0x2a: {  	p0 =	seq.s32 s5, $0x0;
	s5 =	sld [smem:$0x3FB3]  }
0x2b: {  	s6 =	sld [smem:$0x3FB4]  }
0x2c: {  	s7 =	sld [smem:$0x3FB5]  }
0x2d: {  	s3 =	simm.s32 $0x108;
	s8 =	sld [smem:$0x3FB6]  }
0x2e: {  	s3 =	simm.s32 @!p0 $0x1082;
	s9 =	sld [smem:$0x3FB7]  }
0x2f: {  	lr =	sadd.s32 s0, s3;
	s0 =	sld [smem:$0x3FAE]  }
0x30: {  	s3 =	sld [smem:$0x3FB1]  }
0x31: {  	[smem:$0x3FBA] =	sst s10  }
0x32: {  	s10 =	sld [smem:$0x3FB8];
	_ =	sdelay $0x3  }
0x33: {  	p0 =	seq.s32 s10, $0x1;
	s10 =	sld [smem:$0x3FBA];
	_ =	sdelay $0x3  }
0x34: {  	[smem:$0x3FBA] =	sst s10  }
0x35: {  	s10 =	sld [smem:$0x3FB9];
	_ =	sdelay $0x3  }
0x36: {  	p1 =	seq.s32 s10, $0x1;
	s10 =	sld [smem:$0x3FBA];
	_ =	sdelay $0x3  }
0x37: {  	[smem:$0x3FBA] =	sst s10  }
0x38: {  	s10 =	sld [smem:$0x3FBB]  }
0x39: {  	_ = 	snop;
	(pc) =	sbr.ind lr, $3  }
0x3a: {  	_ = 	snop  }
0x3b: {  	_ = 	snop  }
0x3c: {  	p2 =	seq.s32 s10, $0x1;
	s10 =	sld [smem:$0x3FBA]  }
0x3d: {  	_ =	shalt  }
0x3e: {  	_ =	shalt  }
0x3f: {  	_ =	shalt  }
0x40: {  	_ =	shalt  }
0x41: {  	_ =	shalt  }
0x42: {  	_ =	shalt  }
0x43: {  	_ =	shalt  }
0x44: {  	_ =	shalt  }
0x45: {  	_ =	shalt  }
0x46: {  	_ =	shalt  }
0x47: {  	_ =	shalt  }
0x48: {  	_ =	shalt  }
0x49: {  	_ =	shalt  }
0x4a: {  	_ =	shalt  }
0x4b: {  	_ =	shalt  }
0x4c: {  	_ =	shalt  }
0x4d: {  	_ =	shalt  }
0x4e: {  	_ =	shalt  }
0x4f: {  	_ =	shalt  }
0x50: {  	_ =	shalt  }
0x51: {  	_ =	shalt  }
0x52: {  	_ =	shalt  }
0x53: {  	_ =	shalt  }
0x54: {  	_ =	shalt  }
0x55: {  	_ =	shalt  }
0x56: {  	_ =	shalt  }
0x57: {  	_ =	shalt  }
0x58: {  	_ =	shalt  }
0x59: {  	_ =	shalt  }
0x5a: {  	_ =	shalt  }
0x5b: {  	_ =	shalt  }
0x5c: {  	_ =	shalt  }
0x5d: {  	_ =	shalt  }
0x5e: {  	_ =	shalt  }
0x5f: {  	_ =	shalt  }
0x60: {  	_ =	shalt  }
0x61: {  	_ =	shalt  }
0x62: {  	_ =	shalt  }
0x63: {  	_ =	shalt  }
0x64: {  	_ =	shalt  }
0x65: {  	_ =	shalt  }
0x66: {  	_ =	shalt  }
0x67: {  	_ =	shalt  }
0x68: {  	_ =	shalt  }
0x69: {  	_ =	shalt  }
0x6a: {  	_ =	shalt  }
0x6b: {  	_ =	shalt  }
0x6c: {  	_ =	shalt  }
0x6d: {  	_ =	shalt  }
0x6e: {  	_ =	shalt  }
0x6f: {  	_ =	shalt  }
0x70: {  	_ =	shalt  }
0x71: {  	_ =	shalt  }
0x72: {  	_ =	shalt  }
0x73: {  	_ =	shalt  }
0x74: {  	_ =	shalt  }
0x75: {  	_ =	shalt  }
0x76: {  	_ =	shalt  }
0x77: {  	_ =	shalt  }
0x78: {  	_ =	shalt  }
0x79: {  	_ =	shalt  }
0x7a: {  	_ =	shalt  }
0x7b: {  	_ =	shalt  }
0x7c: {  	_ =	shalt  }
0x7d: {  	_ =	shalt  }
0x7e: {  	_ =	shalt  }
0x7f: {  	_ =	shalt  }
0x80: {  	_ =	shalt  }
0x81: {  	_ =	shalt  }
0x82: {  	_ =	shalt  }
0x83: {  	_ =	shalt  }
0x84: {  	_ =	shalt  }
0x85: {  	_ =	shalt  }
0x86: {  	_ =	shalt  }
0x87: {  	_ =	shalt  }
.Lfunc_end0:
.L_simem_size_0:
called_computation_lowered:
.L_overlay_start_0:
0x88: {  	s2 =	sld [smem:$0x3FD9]  }
0x89: {  	s3 =	sld [smem:$0x3FFE];
	_ =	sdelay $0x1  }
0x8a: {  	s1 =	srdreg.scid  }
0x8b: {  	s0 =	sand.u32 $0x1, s1  }
0x8c: {  	s17 =	sshll.u32 s0, $0xA;
	s2 =	sadd.s32 s3, s2  }
0x8d: {  	s2 =	sadd.s32 s2, s17  }
0x8e: {  	[smem:$0x3FC6] =	sst s2  }
0x8f: {  	_ = 	snop  }
0x90: {  	s2 =	sld [smem:$0x3FD0];
	(tm) =	ssettm $0x1  }
0x91: {  	s18 =	sld [smem:$0x3FFB];
	_ =	sdelay $0x3  }
0x92: {  	_ =	strace s18  }
0x93: {  	s3 =	sld [smem:$0x3FFC];
	_ =	sdelay $0x3  }
0x94: {  	_ =	strace s3  }
0x95: {  	s3 =	sld [smem:$0x3FFD];
	_ =	sdelay $0x3  }
0x96: {  	_ =	strace s3  }
0x97: {  	_ =	strace $0x8FFFFFFF  }
0x98: {  	s19 =	sld [smem:$0x3FDB];
	_ =	sdelay $0x1  }
0x99: {  	s4 =	simm.s32 $_scs_section_size  }
0x9a: {  	s5 =	simm.s32 $_size__tile_overlayer_lowered;
	s6 =	simm.s32 $_tile_overlayer_lowered  }
0x9b: {  	s22 =	simm.s32 $0x1BFF;
	s21 =	sshll.u32 s6, $0x1;
	s3 =	sadd.s32 s4, s19  }
0x9c: {  	s7 =	simm.s32 $0x0;
	s20 =	sshll.u32 s5, $0x1;
	s5 =	sadd.s32 s21, s3  }
0x9d: {  	[timem:s7], [sflag:s22] =	dma.local [hbm:s5], s20  }
0x9e: {  	_ =	swait.ge [sflag:s22], s20  }
0x9f: {  	s4 =	ssub.s32 $0x0, s20;
	[sflag:s22] =	ssyncset.done $0x0  }
0xa0: {  	[sflag:s22] =	ssyncadd.s32 s4;
	_ =	sdelay $0x1  }
0xa1: {  	s23 =	simm.s32 $0x1B8B  }
0xa2: {  	_ =	swait.ge [sflag:s23], $0x1  }
0xa3: {  	[sflag:s23] =	ssyncset.done $0x0  }
0xa4: {  	s25 =	simm.s32 $0x1B8E;
	s24 =	sld [smem:$0x3FFE];
	[sflag:s23] =	ssyncadd.s32 $0xFFFFFFFF  }
0xa5: {  	s26 =	simm.s32 $execute0_lowered;
	[smem:$0x3FD2] =	sst s25  }
0xa6: {  	s5 =	sshll.u32 s26, $0x1;
	_ =	strace $0x80000046;
	[dreg:$0x1] =	wrdreg $0xFFFFFFFF  }
0xa7: {  	s28 =	simm.s32 $_size_execute0_lowered;
	s3 =	sadd.s32 s3, s5;
	[dreg:$0x0] =	wrdreg $0x0  }
0xa8: {  	s5 =	sshll.u32 s28, $0x1;
	[dreg:$0x2] =	wrdreg s3  }
0xa9: {  	[dreg:$0x3] =	wrdreg s5  }
0xaa: {  	[dreg:$0x4] =	wrdreg $0xC0  }
0xab: {  	_ =	task [dreg:s7], $0x5FFFF  }
0xac: {  	[dreg:$0x1] =	wrdreg $0xFFFFFFFF  }
0xad: {  	[dreg:$0x0] =	wrdreg $0x60  }
0xae: {  	[dreg:$0x2] =	wrdreg s2  }
0xaf: {  	[dreg:$0x3] =	wrdreg s24  }
0xb0: {  	[dreg:$0x4] =	wrdreg $0x0  }
0xb1: {  	[dreg:$0x5] =	wrdreg $0x8000  }
0xb2: {  	[dreg:$0x6] =	wrdreg $0x9  }
0xb3: {  	_ =	task.clear_ibuf [dreg:s7], $0x7FFFF;
	_ =	strace $0x90000046  }
0xb4: {  	s29 =	simm.s32 $0x9;
	_ =	strace $0x80000048  }
0xb5: {  	_ =	swait.ge [sflag:s29], $0x1  }
0xb6: {  	[sflag:s29] =	ssyncadd.s32 $0xFFFFFFFF  }
0xb7: {  	_ =	strace $0x90000048  }
0xb8: {  	_ =	sfence  }
0xb9: {  	s30 =	sld [smem:$0x0];
	_ =	sdelay $0x2  }
0xba: {  	s31 =	sshll.u32 s1, $0xD;
	s1 =	sshrl.u32 s1, $0x2  }
0xbb: {  	s3 =	sand.u32 $0x4000, s31;
	s1 =	sadd.s32 s1, s30  }
0xbc: {  	s0 =	sor.u32 s3, s0;
	s1 =	sshll.u32 s1, $0x11  }
0xbd: {  	s0 =	sor.u32 s1, s0  }
0xbe: {  	s0 =	sadd.s32 $0x8F2B, s0  }
0xbf: {  	[sflag:s0] =	ssyncadd.remote.s32 $0x1  }
0xc0: {  	_ =	sfence.sel $0xFFFF  }
0xc1: {  	[dreg:$0x0] =	wrdreg $0xFFFFFFFF;
	(pc) =	sbr.abs _section_cstart, $3  }
0xc2: {  	[dreg:$0x1] =	wrdreg $0xFFFFFFFF  }
0xc3: {  	_ =	task.clear_ibuf [dreg:s7], $0x2FFFF;
	_ =	strace $0x9FFFFFFF  }
0xc4: {  	(tm) =	ssettm $0x7FFFFFFF  }
0xc5: {  	_ =	shalt  }
tec
execute0_lowered:
.L_overlay_start_1:
0x0: {  	(tag) =	ssettag $0x1  }
0x1: {  	s0 =	rddreg [dreg:$0x0]  }
0x2: {  	s1 =	rddreg [dreg:$0x1]  }
0x3: {  	s9 =	rddreg [dreg:$0x2]  }
0x4: {  	s13 =	rddreg [dreg:$0x3];
	s2 =	srdreg.scid;
	s4 =	simm.s32 $0x0  }
0x5: {  	s12 =	stileid.u32;
	s14 =	simm.s32 $0x400;
	s15 =	simm.s32 $0x8000  }
0x6: {  	s18 =	simm.s32 $0x6;
	s20 =	simm.s32 $0x1000;
	s21 =	simm.s32 $0x9000  }
0x7: {  	s22 =	simm.s32 $0x2;
	s23 =	simm.s32 $0x3;
	s24 =	simm.s32 $0x1  }
0x8: {  	s29 =	simm.s32 $0x1B000;
	s30 =	simm.s32 $0x4;
	s31 =	simm.s32 $0x5  }
0x9: {  	s2 =	sand.u32 $0x1, s2;
	[smem:$0x7FF] =	sst s4;
	s3 =	sshll.u32 s12, $0xB  }
0xa: {  	s6 =	sshll.u32 s12, $0x8;
	s11 =	sadd.s32 $0x11E00, s1;
	s25 =	sshll.u32 s12, $0x6  }
0xb: {  	s5 =	sshll.u32 s2, $0xA;
	_ =	strace $0x80000047;
	s2 =	ssub.s32 $0x2, s2  }
0xc: {  	s8 =	sadd.s32 s6, s1;
	s16 =	sadd.s32 s3, s9;
	s6 =	sadd.s32 s0, s6  }
0xd: {  	s26 =	sadd.s32 s3, s13;
	s5 =	sor.u32 s5, s3;
	s7 =	sshrl.u32 s2, $0x1  }
0xe: {  	s8 =	sadd.s32 $0xE00, s8;
	s17 =	sshrl.u32 s16, $0x3;
	s19 =	sshrl.u32 s26, $0x3  }
0xf: {  	s10 =	sshrl.u32 s5, $0x3;
	s2 =	ssub.s32 s2, s7;
	s7 =	sor.u32 $0x1C06, s25  }
0x10: {  	s5 =	sadd.s32 s10, s1;
	s1 =	sadd.s32 $0x21E00, s1;
	s9 =	sadd.s32 s11, s10  }
0x11: {  	s28 =	sor.u32 $0x8000, s10;
	s13 =	smax.u32 s2, $0x1;
	s5 =	sadd.s32 $0x1E00, s5  }
0x12: {  	s10 =	sadd.s32 s1, s10;
	s11 =	sadd.s32 s11, s28;
	s12 =	sadd.s32 s1, s28  }
.LBB2_1:
0x13: {  	s0 =	simm.s32 $0x11000  }
0x14: {  	[tilespmem:s0], [sflag:$0x1] =	stream.strided.gather [hbm4b:s5+s14], $0x4000, s15, s14, $0x38;
	[tilespmem:$0x1D000] =	vst v63  }
0x15: {  	[spmem:s17], [sflag:s7] =	dma.local [hbm:s6], $0x100  }
0x16: {  	_ =	swait.ge [sflag:s18], $0x100  }
0x17: {  	[sflag:s18] =	ssyncset.done $0x0  }
0x18: {  	[sflag:s18] =	ssyncadd.s32 $0xFFFFFF00  }
0x19: {  	[spmem:s19], [sflag:s7] =	dma.local [hbm:s8], $0x100  }
0x1a: {  	_ =	swait.ge [sflag:s18], $0x100  }
0x1b: {  	[sflag:s18] =	ssyncset.done $0x0  }
0x1c: {  	[sflag:s18] =	ssyncadd.s32 $0xFFFFFF00  }
0x1d: {  	[bflag:$0x0] =	sbarrier.arrive $0xFFFF  }
0x1e: {  	s25 =	rddreg [dreg:$0x2]  }
0x1f: {  	[tilespmem:s20], [sflag:$0x2] =	stream.linear.gather [spmem:s25], $0x8000, $0x38;
	[tilespmem:$0x1D000] =	vst v63  }
0x20: {  	s26 =	rddreg [dreg:$0x3]  }
0x21: {  	[tilespmem:s21], [sflag:$0x3] =	stream.linear.gather [spmem:s26], $0x8000, $0x38;
	[tilespmem:$0x1D000] =	vst v63  }
0x22: {  	_ =	swait.ge [sflag:s22], $0x8000  }
0x23: {  	[sflag:s22] =	ssyncset.done $0x0  }
0x24: {  	[sflag:s22] =	ssyncadd.s32 $0xFFFF8000  }
0x25: {  	_ =	swait.ge [sflag:s23], $0x8000  }
0x26: {  	[sflag:s23] =	ssyncset.done $0x0  }
0x27: {  	[sflag:s23] =	ssyncadd.s32 $0xFFFF8000  }
0x28: {  	_ =	swait.ge [sflag:s24], $0x4000  }
0x29: {  	[sflag:s24] =	ssyncset.done $0x0  }
0x2a: {  	s25 =	simm.s32 $0x11100;
	[sflag:s24] =	ssyncadd.s32 $0xFFFFC000  }
0x2b: {  	v0 =	vld [tilespmem:s25+$0x80];
	_ =	sdelay $0x1  }
0x2c: {  	v1 =	vld [tilespmem:s25+$0xFFFFFF00]  }
0x2d: {  	v2 =	vld [tilespmem:s25+$0xFFFFFF80];
	_ =	sdelay $0x1  }
0x2e: {  	v3 =	vld [tilespmem:s25+$0x0];
	_ =	sdelay $0x2  }
0x2f: {  	v4 =	vld.idx.msk [tilespmem:v0+s20+$0x0], $0xffff;
	_ =	sdelay $0x1  }
0x30: {  	v5 =	vld.idx.msk [tilespmem:v1+s20+$0x0], $0xffff  }
0x31: {  	v6 =	vld.idx.msk [tilespmem:v2+s20+$0x0], $0xffff  }
0x32: {  	s3 =	simm.s32 $0x15100  }
0x33: {  	v7 =	vld.idx.msk [tilespmem:v3+s20+$0x0], $0xffff;
	[tilespmem:s3+$0x80] =	vst v4  }
0x34: {  	v0 =	vld.idx.msk [tilespmem:v0+s21+$0x0], $0xffff  }
0x35: {  	[tilespmem:s3+$0xFFFFFF00] =	vst v5  }
0x36: {  	[tilespmem:s3+$0xFFFFFF80] =	vst v6;
	v1 =	vld.idx.msk [tilespmem:v1+s21+$0x0], $0xffff  }
0x37: {  	v2 =	vld.idx.msk [tilespmem:v2+s21+$0x0], $0xffff  }
0x38: {  	s0 =	simm.s32 $0x19100;
	[tilespmem:s3+$0x0] =	vst v7  }
0x39: {  	v3 =	vld.idx.msk [tilespmem:v3+s21+$0x0], $0xffff;
	[tilespmem:s0+$0x80] =	vst v0  }
0x3a: {  	v0 =	vld [tilespmem:s25+$0x90]  }
0x3b: {  	[tilespmem:s0+$0xFFFFFF00] =	vst v1  }
0x3c: {  	[tilespmem:s0+$0xFFFFFF80] =	vst v2;
	v1 =	vld [tilespmem:s25+$0xFFFFFF10]  }
0x3d: {  	v2 =	vld [tilespmem:s25+$0xFFFFFF90]  }
0x3e: {  	[tilespmem:s0+$0x0] =	vst v3  }
0x3f: {  	v3 =	vld [tilespmem:s25+$0x10];
	_ =	sdelay $0x2  }
0x40: {  	v4 =	vld.idx.msk [tilespmem:v0+s20+$0x0], $0xffff;
	_ =	sdelay $0x1  }
0x41: {  	v5 =	vld.idx.msk [tilespmem:v1+s20+$0x0], $0xffff  }
0x42: {  	v6 =	vld.idx.msk [tilespmem:v2+s20+$0x0], $0xffff;
	_ =	sdelay $0x1  }
0x43: {  	v7 =	vld.idx.msk [tilespmem:v3+s20+$0x0], $0xffff;
	[tilespmem:s3+$0x90] =	vst v4  }
0x44: {  	v0 =	vld.idx.msk [tilespmem:v0+s21+$0x0], $0xffff  }
0x45: {  	[tilespmem:s3+$0xFFFFFF10] =	vst v5  }
0x46: {  	[tilespmem:s3+$0xFFFFFF90] =	vst v6;
	v1 =	vld.idx.msk [tilespmem:v1+s21+$0x0], $0xffff  }
0x47: {  	v2 =	vld.idx.msk [tilespmem:v2+s21+$0x0], $0xffff  }
0x48: {  	[tilespmem:s3+$0x10] =	vst v7  }
0x49: {  	v3 =	vld.idx.msk [tilespmem:v3+s21+$0x0], $0xffff;
	[tilespmem:s0+$0x90] =	vst v0  }
0x4a: {  	v0 =	vld [tilespmem:s25+$0xA0]  }
0x4b: {  	[tilespmem:s0+$0xFFFFFF10] =	vst v1  }
0x4c: {  	[tilespmem:s0+$0xFFFFFF90] =	vst v2;
	v1 =	vld [tilespmem:s25+$0xFFFFFF20]  }
0x4d: {  	v2 =	vld [tilespmem:s25+$0xFFFFFFA0]  }
0x4e: {  	[tilespmem:s0+$0x10] =	vst v3  }
0x4f: {  	v3 =	vld [tilespmem:s25+$0x20];
	_ =	sdelay $0x2  }
0x50: {  	v4 =	vld.idx.msk [tilespmem:v0+s20+$0x0], $0xffff;
	_ =	sdelay $0x1  }
0x51: {  	v5 =	vld.idx.msk [tilespmem:v1+s20+$0x0], $0xffff  }
0x52: {  	v6 =	vld.idx.msk [tilespmem:v2+s20+$0x0], $0xffff;
	_ =	sdelay $0x1  }
0x53: {  	v7 =	vld.idx.msk [tilespmem:v3+s20+$0x0], $0xffff;
	[tilespmem:s3+$0xA0] =	vst v4  }
0x54: {  	v0 =	vld.idx.msk [tilespmem:v0+s21+$0x0], $0xffff  }
0x55: {  	[tilespmem:s3+$0xFFFFFF20] =	vst v5  }
0x56: {  	[tilespmem:s3+$0xFFFFFFA0] =	vst v6;
	v1 =	vld.idx.msk [tilespmem:v1+s21+$0x0], $0xffff  }
0x57: {  	v2 =	vld.idx.msk [tilespmem:v2+s21+$0x0], $0xffff  }
0x58: {  	[tilespmem:s3+$0x20] =	vst v7  }
0x59: {  	v3 =	vld.idx.msk [tilespmem:v3+s21+$0x0], $0xffff;
	[tilespmem:s0+$0xA0] =	vst v0  }
0x5a: {  	v0 =	vld [tilespmem:s25+$0xB0]  }
0x5b: {  	[tilespmem:s0+$0xFFFFFF20] =	vst v1  }
0x5c: {  	[tilespmem:s0+$0xFFFFFFA0] =	vst v2;
	v1 =	vld [tilespmem:s25+$0xFFFFFF30]  }
0x5d: {  	v2 =	vld [tilespmem:s25+$0xFFFFFFB0]  }
0x5e: {  	[tilespmem:s0+$0x20] =	vst v3  }
0x5f: {  	v3 =	vld [tilespmem:s25+$0x30];
	_ =	sdelay $0x2  }
0x60: {  	v4 =	vld.idx.msk [tilespmem:v0+s20+$0x0], $0xffff;
	_ =	sdelay $0x1  }
0x61: {  	v5 =	vld.idx.msk [tilespmem:v1+s20+$0x0], $0xffff  }
0x62: {  	v6 =	vld.idx.msk [tilespmem:v2+s20+$0x0], $0xffff;
	_ =	sdelay $0x1  }
0x63: {  	v7 =	vld.idx.msk [tilespmem:v3+s20+$0x0], $0xffff;
	[tilespmem:s3+$0xB0] =	vst v4  }
0x64: {  	s2 =	simm.s32 $0x11300;
	v0 =	vld.idx.msk [tilespmem:v0+s21+$0x0], $0xffff  }
0x65: {  	v8 =	vld [tilespmem:s2+$0xFFFFFF00];
	[tilespmem:s3+$0xFFFFFF30] =	vst v5  }
0x66: {  	[tilespmem:s3+$0xFFFFFFB0] =	vst v6;
	v1 =	vld.idx.msk [tilespmem:v1+s21+$0x0], $0xffff  }
0x67: {  	v2 =	vld.idx.msk [tilespmem:v2+s21+$0x0], $0xffff  }
0x68: {  	[tilespmem:s3+$0x30] =	vst v7;
	v4 =	vld [tilespmem:s2+$0x80]  }
0x69: {  	v3 =	vld.idx.msk [tilespmem:v3+s21+$0x0], $0xffff;
	[tilespmem:s0+$0xB0] =	vst v0  }
0x6a: {  	v0 =	vld [tilespmem:s25+$0xC0]  }
0x6b: {  	v7 =	vld [tilespmem:s2+$0x0];
	[tilespmem:s0+$0xFFFFFF30] =	vst v1  }
0x6c: {  	[tilespmem:s0+$0xFFFFFFB0] =	vst v2;
	v1 =	vld [tilespmem:s25+$0xFFFFFF40]  }
0x6d: {  	v2 =	vld [tilespmem:s25+$0xFFFFFFC0]  }
0x6e: {  	v5 =	vld [tilespmem:s2+$0xFFFFFF80];
	[tilespmem:s0+$0x30] =	vst v3  }
0x6f: {  	v3 =	vld [tilespmem:s25+$0x40]  }
0x70: {  	v12 =	vld.idx.msk [tilespmem:v4+s20+$0x0], $0xffff  }
0x71: {  	v48 =	vld.idx.msk [tilespmem:v8+s20+$0x0], $0xffff  }
0x72: {  	v6 =	vld.idx.msk [tilespmem:v0+s20+$0x0], $0xffff  }
0x73: {  	v13 =	vld.idx.msk [tilespmem:v7+s20+$0x0], $0xffff  }
0x74: {  	s16 =	simm.s32 $0x15300;
	v9 =	vld.idx.msk [tilespmem:v1+s20+$0x0], $0xffff  }
0x75: {  	[tilespmem:s16+$0x80] =	vst v12;
	v10 =	vld.idx.msk [tilespmem:v2+s20+$0x0], $0xffff  }
0x76: {  	v4 =	vld.idx.msk [tilespmem:v4+s21+$0x0], $0xffff  }
0x77: {  	[tilespmem:s3+$0xC0] =	vst v6;
	v6 =	vld.idx.msk [tilespmem:v5+s20+$0x0], $0xffff  }
0x78: {  	[tilespmem:s16+$0xFFFFFF00] =	vst v48;
	v11 =	vld.idx.msk [tilespmem:v3+s20+$0x0], $0xffff  }
0x79: {  	[tilespmem:s3+$0xFFFFFF40] =	vst v9;
	v0 =	vld.idx.msk [tilespmem:v0+s21+$0x0], $0xffff  }
0x7a: {  	[tilespmem:s3+$0xFFFFFFC0] =	vst v10;
	v1 =	vld.idx.msk [tilespmem:v1+s21+$0x0], $0xffff  }
0x7b: {  	[tilespmem:s16+$0x0] =	vst v13;
	v2 =	vld.idx.msk [tilespmem:v2+s21+$0x0], $0xffff  }
0x7c: {  	[tilespmem:s16+$0xFFFFFF80] =	vst v6;
	v6 =	vld.idx.msk [tilespmem:v7+s21+$0x0], $0xffff  }
0x7d: {  	[tilespmem:s3+$0x40] =	vst v11;
	v7 =	vld.idx.msk [tilespmem:v8+s21+$0x0], $0xffff  }
0x7e: {  	[tilespmem:s0+$0xC0] =	vst v0;
	v5 =	vld.idx.msk [tilespmem:v5+s21+$0x0], $0xffff  }
0x7f: {  	s1 =	simm.s32 $0x19300;
	[tilespmem:s0+$0xFFFFFF40] =	vst v1;
	v1 =	vld.idx.msk [tilespmem:v3+s21+$0x0], $0xffff  }
0x80: {  	[tilespmem:s1+$0x80] =	vst v4;
	v0 =	vld [tilespmem:s25+$0xD0]  }
0x81: {  	[tilespmem:s0+$0xFFFFFFC0] =	vst v2;
	v2 =	vld [tilespmem:s2+$0x90]  }
0x82: {  	v3 =	vld [tilespmem:s25+$0xFFFFFF50];
	[tilespmem:s1+$0xFFFFFF00] =	vst v7  }
0x83: {  	[tilespmem:s1+$0x0] =	vst v6;
	v6 =	vld [tilespmem:s2+$0xFFFFFF10]  }
0x84: {  	[tilespmem:s0+$0x40] =	vst v1;
	v1 =	vld [tilespmem:s2+$0x10]  }
0x85: {  	v4 =	vld [tilespmem:s25+$0xFFFFFFD0];
	[tilespmem:s1+$0xFFFFFF80] =	vst v5  }
0x86: {  	v7 =	vld [tilespmem:s2+$0xFFFFFF90]  }
0x87: {  	v8 =	vld [tilespmem:s25+$0x50]  }
0x88: {  	v5 =	vld.idx.msk [tilespmem:v0+s20+$0x0], $0xffff  }
0x89: {  	v50 =	vld.idx.msk [tilespmem:v2+s20+$0x0], $0xffff  }
0x8a: {  	v49 =	vld.idx.msk [tilespmem:v3+s20+$0x0], $0xffff  }
0x8b: {  	v52 =	vld.idx.msk [tilespmem:v6+s20+$0x0], $0xffff  }
0x8c: {  	v13 =	vld.idx.msk [tilespmem:v1+s20+$0x0], $0xffff  }
0x8d: {  	[tilespmem:s3+$0xD0] =	vst v5;
	v5 =	vld.idx.msk [tilespmem:v4+s20+$0x0], $0xffff  }
0x8e: {  	v51 =	vld.idx.msk [tilespmem:v7+s20+$0x0], $0xffff  }
0x8f: {  	[tilespmem:s16+$0x90] =	vst v50;
	v53 =	vld.idx.msk [tilespmem:v8+s20+$0x0], $0xffff  }
0x90: {  	v2 =	vld.idx.msk [tilespmem:v2+s21+$0x0], $0xffff;
	[tilespmem:s3+$0xFFFFFF50] =	vst v49  }
0x91: {  	v0 =	vld.idx.msk [tilespmem:v0+s21+$0x0], $0xffff;
	[tilespmem:s16+$0xFFFFFF10] =	vst v52  }
0x92: {  	v3 =	vld.idx.msk [tilespmem:v3+s21+$0x0], $0xffff;
	[tilespmem:s16+$0x10] =	vst v13  }
0x93: {  	[tilespmem:s16+$0xFFFFFF90] =	vst v51;
	v6 =	vld.idx.msk [tilespmem:v6+s21+$0x0], $0xffff  }
0x94: {  	[tilespmem:s3+$0xFFFFFFD0] =	vst v5;
	v1 =	vld.idx.msk [tilespmem:v1+s21+$0x0], $0xffff  }
0x95: {  	[tilespmem:s1+$0x90] =	vst v2;
	v7 =	vld.idx.msk [tilespmem:v7+s21+$0x0], $0xffff  }
0x96: {  	[tilespmem:s0+$0xD0] =	vst v0;
	v2 =	vld.idx.msk [tilespmem:v4+s21+$0x0], $0xffff  }
0x97: {  	v0 =	vld [tilespmem:s25+$0xE0]  }
0x98: {  	[tilespmem:s3+$0x50] =	vst v53;
	v4 =	vld [tilespmem:s2+$0xA0]  }
0x99: {  	v5 =	vld.idx.msk [tilespmem:v8+s21+$0x0], $0xffff;
	[tilespmem:s1+$0xFFFFFF10] =	vst v6  }
0x9a: {  	[tilespmem:s1+$0x10] =	vst v1;
	v8 =	vld [tilespmem:s2+$0xFFFFFF20]  }
0x9b: {  	[tilespmem:s1+$0xFFFFFF90] =	vst v7;
	v1 =	vld [tilespmem:s2+$0x20]  }
0x9c: {  	v6 =	vld [tilespmem:s2+$0xFFFFFFA0]  }
0x9d: {  	[tilespmem:s0+$0xFFFFFF50] =	vst v3  }
0x9e: {  	[tilespmem:s0+$0xFFFFFFD0] =	vst v2;
	v2 =	vld [tilespmem:s25+$0xFFFFFF60]  }
0x9f: {  	[tilespmem:s0+$0x50] =	vst v5;
	v7 =	vld.idx.msk [tilespmem:v0+s20+$0x0], $0xffff  }
0xa0: {  	v5 =	vld [tilespmem:s25+$0x60]  }
0xa1: {  	v54 =	vld.idx.msk [tilespmem:v4+s20+$0x0], $0xffff  }
0xa2: {  	v55 =	vld.idx.msk [tilespmem:v8+s20+$0x0], $0xffff  }
0xa3: {  	v56 =	vld.idx.msk [tilespmem:v1+s20+$0x0], $0xffff  }
0xa4: {  	[tilespmem:s3+$0xE0] =	vst v7;
	v7 =	vld.idx.msk [tilespmem:v6+s20+$0x0], $0xffff  }
0xa5: {  	v3 =	vld [tilespmem:s25+$0xFFFFFFE0]  }
0xa6: {  	[tilespmem:s16+$0xA0] =	vst v54;
	v57 =	vld.idx.msk [tilespmem:v2+s20+$0x0], $0xffff  }
0xa7: {  	v4 =	vld.idx.msk [tilespmem:v4+s21+$0x0], $0xffff;
	[tilespmem:s16+$0xFFFFFF20] =	vst v55  }
0xa8: {  	v0 =	vld.idx.msk [tilespmem:v0+s21+$0x0], $0xffff;
	[tilespmem:s16+$0x20] =	vst v56  }
0xa9: {  	[tilespmem:s16+$0xFFFFFFA0] =	vst v7;
	v7 =	vld.idx.msk [tilespmem:v8+s21+$0x0], $0xffff  }
0xaa: {  	v1 =	vld.idx.msk [tilespmem:v1+s21+$0x0], $0xffff  }
0xab: {  	[tilespmem:s3+$0xFFFFFF60] =	vst v57;
	v8 =	vld.idx.msk [tilespmem:v5+s20+$0x0], $0xffff  }
0xac: {  	v2 =	vld.idx.msk [tilespmem:v2+s21+$0x0], $0xffff  }
0xad: {  	[tilespmem:s0+$0xE0] =	vst v0;
	v0 =	vld.idx.msk [tilespmem:v3+s20+$0x0], $0xffff  }
0xae: {  	[tilespmem:s1+$0xA0] =	vst v4;
	v6 =	vld.idx.msk [tilespmem:v6+s21+$0x0], $0xffff  }
0xaf: {  	v4 =	vld [tilespmem:s2+$0xB0];
	[tilespmem:s1+$0xFFFFFF20] =	vst v7  }
0xb0: {  	v58 =	vld [tilespmem:s25+$0xF0];
	[tilespmem:s1+$0x20] =	vst v1  }
0xb1: {  	[tilespmem:s3+$0x60] =	vst v8;
	v7 =	vld [tilespmem:s2+$0xFFFFFF30]  }
0xb2: {  	v1 =	vld [tilespmem:s2+$0x30];
	[tilespmem:s3+$0xFFFFFFE0] =	vst v0  }
0xb3: {  	[tilespmem:s0+$0xFFFFFF60] =	vst v2;
	v3 =	vld.idx.msk [tilespmem:v3+s21+$0x0], $0xffff  }
0xb4: {  	[tilespmem:s1+$0xFFFFFFA0] =	vst v6;
	v8 =	vld [tilespmem:s25+$0xFFFFFF70]  }
0xb5: {  	v6 =	vld [tilespmem:s2+$0xFFFFFFB0]  }
0xb6: {  	v2 =	vld.idx.msk [tilespmem:v5+s21+$0x0], $0xffff  }
0xb7: {  	v5 =	vld.idx.msk [tilespmem:v4+s20+$0x0], $0xffff  }
0xb8: {  	v0 =	vld.idx.msk [tilespmem:v58+s20+$0x0], $0xffff;
	[tilespmem:s0+$0xFFFFFFE0] =	vst v3  }
0xb9: {  	v60 =	vld [tilespmem:s25+$0xFFFFFFF0]  }
0xba: {  	v10 =	vld.idx.msk [tilespmem:v7+s20+$0x0], $0xffff  }
0xbb: {  	v3 =	vld.idx.msk [tilespmem:v1+s20+$0x0], $0xffff  }
0xbc: {  	[tilespmem:s0+$0x60] =	vst v2;
	v61 =	vld.idx.msk [tilespmem:v8+s20+$0x0], $0xffff  }
0xbd: {  	[tilespmem:s16+$0xB0] =	vst v5;
	v59 =	vld.idx.msk [tilespmem:v6+s20+$0x0], $0xffff  }
0xbe: {  	[tilespmem:s3+$0xF0] =	vst v0;
	v0 =	vld [tilespmem:s25+$0x70]  }
0xbf: {  	v4 =	vld.idx.msk [tilespmem:v4+s21+$0x0], $0xffff  }
0xc0: {  	v2 =	vld.idx.msk [tilespmem:v58+s21+$0x0], $0xffff;
	[tilespmem:s16+$0xFFFFFF30] =	vst v10  }
0xc1: {  	[tilespmem:s16+$0x30] =	vst v3;
	v7 =	vld.idx.msk [tilespmem:v7+s21+$0x0], $0xffff  }
0xc2: {  	[tilespmem:s16+$0xFFFFFFB0] =	vst v59;
	v1 =	vld.idx.msk [tilespmem:v1+s21+$0x0], $0xffff  }
0xc3: {  	[tilespmem:s3+$0xFFFFFF70] =	vst v61;
	v5 =	vld.idx.msk [tilespmem:v6+s21+$0x0], $0xffff  }
0xc4: {  	[tilespmem:s1+$0xB0] =	vst v4;
	v62 =	vld.idx.msk [tilespmem:v60+s20+$0x0], $0xffff  }
0xc5: {  	[tilespmem:s0+$0xF0] =	vst v2;
	v6 =	vld [tilespmem:s2+$0xC0]  }
0xc6: {  	v63 =	vld.idx.msk [tilespmem:v0+s20+$0x0], $0xffff;
	[tilespmem:s1+$0xFFFFFF30] =	vst v7  }
0xc7: {  	v2 =	vld.idx.msk [tilespmem:v8+s21+$0x0], $0xffff;
	[tilespmem:s1+$0x30] =	vst v1  }
0xc8: {  	[tilespmem:s1+$0xFFFFFFB0] =	vst v5;
	v5 =	vld [tilespmem:s2+$0xFFFFFF40]  }
0xc9: {  	v3 =	vld [tilespmem:s2+$0x40]  }
0xca: {  	s28 =	simm.s32 $0x11500;
	[tilespmem:s3+$0xFFFFFFF0] =	vst v62;
	v4 =	vld [tilespmem:s2+$0xFFFFFFC0]  }
0xcb: {  	s26 =	simm.s32 $0x4;
	s25 =	simm.s32 $0x15300;
	v1 =	vld.idx.msk [tilespmem:v60+s21+$0x0], $0xffff;
	[tilespmem:s3+$0x70] =	vst v63;
	s3 =	simm.s32 $0x19300  }
.LBB2_2:
0xcc: {  	v7 =	vld [tilespmem:s28+$0x80]  }
0xcd: {  	v8 =	vld [tilespmem:s28+$0xFFFFFF80]  }
0xce: {  	s26 =	sadd.s32 $0x4, s26;
	v9 =	vld.idx.msk [tilespmem:v6+s20+$0x0], $0xffff  }
0xcf: {  	p0 =	slt.u32 s26, $0x3C;
	v10 =	vld [tilespmem:s28+$0x0]  }
0xd0: {  	v11 =	vld [tilespmem:s28+$0xFFFFFF00];
	[tilespmem:s0+$0xFFFFFF70] =	vst v2  }
0xd1: {  	v2 =	vld.idx.msk [tilespmem:v5+s20+$0x0], $0xffff;
	[tilespmem:s0+$0xFFFFFFF0] =	vst v1  }
0xd2: {  	v1 =	vld.idx.msk [tilespmem:v4+s20+$0x0], $0xffff  }
0xd3: {  	v12 =	vld.idx.msk [tilespmem:v3+s20+$0x0], $0xffff  }
0xd4: {  	v13 =	vld.idx.msk [tilespmem:v7+s20+$0x0], $0xffff;
	[tilespmem:s16+$0xC0] =	vst v9  }
0xd5: {  	v6 =	vld.idx.msk [tilespmem:v6+s21+$0x0], $0xffff  }
0xd6: {  	v9 =	vld.idx.msk [tilespmem:v8+s20+$0x0], $0xffff  }
0xd7: {  	v14 =	vld.idx.msk [tilespmem:v10+s20+$0x0], $0xffff;
	[tilespmem:s16+$0xFFFFFF40] =	vst v2  }
0xd8: {  	v2 =	vld.idx.msk [tilespmem:v11+s20+$0x0], $0xffff;
	[tilespmem:s16+$0xFFFFFFC0] =	vst v1  }
0xd9: {  	s16 =	sadd.s32 $0x200, s16;
	v1 =	vld.idx.msk [tilespmem:v5+s21+$0x0], $0xffff;
	[tilespmem:s25+$0x40] =	vst v12  }
0xda: {  	[tilespmem:s16+$0x80] =	vst v13;
	v4 =	vld.idx.msk [tilespmem:v4+s21+$0x0], $0xffff  }
0xdb: {  	v5 =	vld.idx.msk [tilespmem:v7+s21+$0x0], $0xffff;
	[tilespmem:s1+$0xC0] =	vst v6  }
0xdc: {  	[tilespmem:s16+$0xFFFFFF80] =	vst v9;
	v6 =	vld [tilespmem:s2+$0xD0]  }
0xdd: {  	v7 =	vld.idx.msk [tilespmem:v8+s21+$0x0], $0xffff;
	[tilespmem:s16+$0x0] =	vst v14  }
0xde: {  	[tilespmem:s16+$0xFFFFFF00] =	vst v2;
	v2 =	vld.idx.msk [tilespmem:v10+s21+$0x0], $0xffff  }
0xdf: {  	v8 =	vld.idx.msk [tilespmem:v11+s21+$0x0], $0xffff;
	[tilespmem:s1+$0xFFFFFF40] =	vst v1  }
0xe0: {  	s1 =	sadd.s32 $0x200, s1;
	[tilespmem:s3+$0xFFFFFFC0] =	vst v4;
	v1 =	vld.idx.msk [tilespmem:v3+s21+$0x0], $0xffff  }
0xe1: {  	[tilespmem:s1+$0x80] =	vst v5;
	v3 =	vld [tilespmem:s2+$0xFFFFFF50]  }
0xe2: {  	v4 =	vld [tilespmem:s28+$0x90]  }
0xe3: {  	[tilespmem:s1+$0xFFFFFF80] =	vst v7;
	v5 =	vld [tilespmem:s2+$0xFFFFFFD0]  }
0xe4: {  	[tilespmem:s1+$0x0] =	vst v2;
	v2 =	vld.idx.msk [tilespmem:v6+s20+$0x0], $0xffff  }
0xe5: {  	[tilespmem:s1+$0xFFFFFF00] =	vst v8;
	v7 =	vld [tilespmem:s28+$0xFFFFFF90]  }
0xe6: {  	v8 =	vld [tilespmem:s28+$0xFFFFFF10];
	[tilespmem:s3+$0x40] =	vst v1  }
0xe7: {  	v1 =	vld [tilespmem:s28+$0x10]  }
0xe8: {  	v9 =	vld [tilespmem:s2+$0x50]  }
0xe9: {  	v10 =	vld.idx.msk [tilespmem:v3+s20+$0x0], $0xffff  }
0xea: {  	v11 =	vld.idx.msk [tilespmem:v4+s20+$0x0], $0xffff;
	[tilespmem:s25+$0xD0] =	vst v2  }
0xeb: {  	v2 =	vld.idx.msk [tilespmem:v6+s21+$0x0], $0xffff  }
0xec: {  	v6 =	vld.idx.msk [tilespmem:v5+s20+$0x0], $0xffff  }
0xed: {  	v12 =	vld.idx.msk [tilespmem:v7+s20+$0x0], $0xffff  }
0xee: {  	v13 =	vld.idx.msk [tilespmem:v8+s20+$0x0], $0xffff  }
0xef: {  	v14 =	vld.idx.msk [tilespmem:v1+s20+$0x0], $0xffff;
	[tilespmem:s25+$0xFFFFFF50] =	vst v10  }
0xf0: {  	[tilespmem:s16+$0x90] =	vst v11;
	v10 =	vld.idx.msk [tilespmem:v9+s20+$0x0], $0xffff  }
0xf1: {  	v4 =	vld.idx.msk [tilespmem:v4+s21+$0x0], $0xffff;
	[tilespmem:s3+$0xD0] =	vst v2  }
0xf2: {  	[tilespmem:s25+$0xFFFFFFD0] =	vst v6;
	v2 =	vld [tilespmem:s2+$0xE0]  }
0xf3: {  	[tilespmem:s16+$0xFFFFFF90] =	vst v12;
	v3 =	vld.idx.msk [tilespmem:v3+s21+$0x0], $0xffff  }
0xf4: {  	[tilespmem:s16+$0xFFFFFF10] =	vst v13;
	v6 =	vld.idx.msk [tilespmem:v7+s21+$0x0], $0xffff  }
0xf5: {  	v7 =	vld.idx.msk [tilespmem:v8+s21+$0x0], $0xffff;
	[tilespmem:s16+$0x10] =	vst v14  }
0xf6: {  	v1 =	vld.idx.msk [tilespmem:v1+s21+$0x0], $0xffff;
	[tilespmem:s25+$0x50] =	vst v10  }
0xf7: {  	[tilespmem:s1+$0x90] =	vst v4;
	v4 =	vld.idx.msk [tilespmem:v5+s21+$0x0], $0xffff  }
0xf8: {  	v5 =	vld [tilespmem:s28+$0xA0]  }
0xf9: {  	[tilespmem:s3+$0xFFFFFF50] =	vst v3;
	v3 =	vld.idx.msk [tilespmem:v9+s21+$0x0], $0xffff  }
0xfa: {  	[tilespmem:s1+$0xFFFFFF90] =	vst v6;
	v6 =	vld.idx.msk [tilespmem:v2+s20+$0x0], $0xffff  }
0xfb: {  	[tilespmem:s1+$0xFFFFFF10] =	vst v7;
	v7 =	vld [tilespmem:s28+$0xFFFFFFA0]  }
0xfc: {  	v8 =	vld [tilespmem:s28+$0xFFFFFF20];
	[tilespmem:s1+$0x10] =	vst v1  }
0xfd: {  	v1 =	vld [tilespmem:s28+$0x20];
	[tilespmem:s3+$0xFFFFFFD0] =	vst v4  }
0xfe: {  	v4 =	vld [tilespmem:s2+$0xFFFFFF60]  }
0xff: {  	v9 =	vld [tilespmem:s2+$0xFFFFFFE0];
	[tilespmem:s3+$0x50] =	vst v3  }
0x100: {  	v3 =	vld.idx.msk [tilespmem:v5+s20+$0x0], $0xffff;
	[tilespmem:s25+$0xE0] =	vst v6  }
0x101: {  	v2 =	vld.idx.msk [tilespmem:v2+s21+$0x0], $0xffff  }
0x102: {  	v6 =	vld [tilespmem:s2+$0x60]  }
0x103: {  	v10 =	vld.idx.msk [tilespmem:v7+s20+$0x0], $0xffff  }
0x104: {  	v11 =	vld.idx.msk [tilespmem:v8+s20+$0x0], $0xffff  }
0x105: {  	v12 =	vld.idx.msk [tilespmem:v1+s20+$0x0], $0xffff  }
0x106: {  	[tilespmem:s16+$0xA0] =	vst v3;
	v3 =	vld.idx.msk [tilespmem:v4+s20+$0x0], $0xffff  }
0x107: {  	v5 =	vld.idx.msk [tilespmem:v5+s21+$0x0], $0xffff;
	[tilespmem:s3+$0xE0] =	vst v2  }
0x108: {  	v2 =	vld [tilespmem:s2+$0xF0]  }
0x109: {  	[tilespmem:s16+$0xFFFFFFA0] =	vst v10;
	v10 =	vld.idx.msk [tilespmem:v9+s20+$0x0], $0xffff  }
0x10a: {  	[tilespmem:s16+$0xFFFFFF20] =	vst v11;
	v7 =	vld.idx.msk [tilespmem:v7+s21+$0x0], $0xffff  }
0x10b: {  	v8 =	vld.idx.msk [tilespmem:v8+s21+$0x0], $0xffff;
	[tilespmem:s16+$0x20] =	vst v12  }
0x10c: {  	v1 =	vld.idx.msk [tilespmem:v1+s21+$0x0], $0xffff;
	[tilespmem:s25+$0xFFFFFF60] =	vst v3  }
0x10d: {  	v3 =	vld.idx.msk [tilespmem:v6+s20+$0x0], $0xffff  }
0x10e: {  	[tilespmem:s1+$0xA0] =	vst v5;
	v4 =	vld.idx.msk [tilespmem:v4+s21+$0x0], $0xffff  }
0x10f: {  	v5 =	vld [tilespmem:s28+$0xB0];
	[tilespmem:s25+$0xFFFFFFE0] =	vst v10  }
0x110: {  	[tilespmem:s1+$0xFFFFFFA0] =	vst v7;
	v7 =	vld.idx.msk [tilespmem:v2+s20+$0x0], $0xffff  }
0x111: {  	[tilespmem:s1+$0xFFFFFF20] =	vst v8;
	v8 =	vld [tilespmem:s28+$0xFFFFFFB0]  }
0x112: {  	v10 =	vld [tilespmem:s28+$0xFFFFFF30];
	[tilespmem:s1+$0x20] =	vst v1  }
0x113: {  	v1 =	vld [tilespmem:s28+$0x30];
	[tilespmem:s25+$0x60] =	vst v3  }
0x114: {  	[tilespmem:s3+$0xFFFFFF60] =	vst v4;
	v3 =	vld.idx.msk [tilespmem:v9+s21+$0x0], $0xffff  }
0x115: {  	v4 =	vld.idx.msk [tilespmem:v6+s21+$0x0], $0xffff  }
0x116: {  	v9 =	vld [tilespmem:s2+$0xFFFFFF70];
	[tilespmem:s25+$0xF0] =	vst v7  }
0x117: {  	v2 =	vld.idx.msk [tilespmem:v2+s21+$0x0], $0xffff  }
0x118: {  	v6 =	vld.idx.msk [tilespmem:v5+s20+$0x0], $0xffff  }
0x119: {  	v7 =	vld.idx.msk [tilespmem:v8+s20+$0x0], $0xffff  }
0x11a: {  	v11 =	vld.idx.msk [tilespmem:v10+s20+$0x0], $0xffff;
	[tilespmem:s3+$0xFFFFFFE0] =	vst v3  }
0x11b: {  	v3 =	vld.idx.msk [tilespmem:v1+s20+$0x0], $0xffff;
	[tilespmem:s3+$0x60] =	vst v4  }
0x11c: {  	v12 =	vld [tilespmem:s2+$0xFFFFFFF0]  }
0x11d: {  	v4 =	vld [tilespmem:s2+$0x70];
	[tilespmem:s3+$0xF0] =	vst v2;
	s2 =	smov.u32 s28  }
0x11e: {  	[tilespmem:s16+$0xB0] =	vst v6;
	v2 =	vld.idx.msk [tilespmem:v9+s20+$0x0], $0xffff  }
0x11f: {  	[tilespmem:s16+$0xFFFFFFB0] =	vst v7;
	v5 =	vld.idx.msk [tilespmem:v5+s21+$0x0], $0xffff  }
0x120: {  	[tilespmem:s16+$0xFFFFFF30] =	vst v11;
	v6 =	vld.idx.msk [tilespmem:v8+s21+$0x0], $0xffff  }
0x121: {  	v7 =	vld.idx.msk [tilespmem:v10+s21+$0x0], $0xffff;
	[tilespmem:s16+$0x30] =	vst v3  }
0x122: {  	v1 =	vld.idx.msk [tilespmem:v1+s21+$0x0], $0xffff  }
0x123: {  	v8 =	vld.idx.msk [tilespmem:v0+s21+$0x0], $0xffff;
	v0 =	vmov v4  }
0x124: {  	[tilespmem:s25+$0xFFFFFF70] =	vst v2;
	v10 =	vld.idx.msk [tilespmem:v12+s20+$0x0], $0xffff  }
0x125: {  	[tilespmem:s1+$0xB0] =	vst v5;
	v11 =	vld.idx.msk [tilespmem:v4+s20+$0x0], $0xffff  }
0x126: {  	[tilespmem:s1+$0xFFFFFFB0] =	vst v6;
	v6 =	vld [tilespmem:s28+$0xC0]  }
.Ltmp0:
0x127: {  	[tilespmem:s1+$0xFFFFFF30] =	vst v7;
	v4 =	vld [tilespmem:s28+$0xFFFFFFC0];
	(pc) =	sbr.rel @p0 .LBB2_2-.Ltmp0, $4  }
0x128: {  	v5 =	vld [tilespmem:s28+$0xFFFFFF40];
	[tilespmem:s1+$0x30] =	vst v1  }
0x129: {  	v3 =	vld [tilespmem:s28+$0x40];
	[tilespmem:s0+$0x70] =	vst v8;
	s0 =	smov.u32 s3;
	s3 =	smov.u32 s1  }
0x12a: {  	v2 =	vld.idx.msk [tilespmem:v9+s21+$0x0], $0xffff;
	[tilespmem:s25+$0xFFFFFFF0] =	vst v10  }
0x12b: {  	s28 =	sadd.s32 $0x200, s28;
	v1 =	vld.idx.msk [tilespmem:v12+s21+$0x0], $0xffff;
	[tilespmem:s25+$0x70] =	vst v11;
	s25 =	smov.u32 s16  }
0x12c: {  	_ =	sdelay $0x3  }
0x12d: {  	v7 =	vld.idx.msk [tilespmem:v6+s20+$0x0], $0xffff  }
0x12e: {  	v8 =	vld.idx.msk [tilespmem:v5+s20+$0x0], $0xffff  }
0x12f: {  	v9 =	vld.idx.msk [tilespmem:v4+s20+$0x0], $0xffff  }
0x130: {  	v10 =	vld.idx.msk [tilespmem:v3+s20+$0x0], $0xffff;
	_ =	sdelay $0x1  }
0x131: {  	[tilespmem:s16+$0xC0] =	vst v7  }
0x132: {  	v6 =	vld.idx.msk [tilespmem:v6+s21+$0x0], $0xffff;
	[tilespmem:s16+$0xFFFFFF40] =	vst v8  }
0x133: {  	[tilespmem:s16+$0xFFFFFFC0] =	vst v9;
	v5 =	vld.idx.msk [tilespmem:v5+s21+$0x0], $0xffff  }
0x134: {  	v4 =	vld.idx.msk [tilespmem:v4+s21+$0x0], $0xffff;
	[tilespmem:s25+$0x40] =	vst v10  }
0x135: {  	v3 =	vld.idx.msk [tilespmem:v3+s21+$0x0], $0xffff;
	_ =	sdelay $0x1  }
0x136: {  	[tilespmem:s1+$0xC0] =	vst v6  }
0x137: {  	v6 =	vld [tilespmem:s2+$0xD0];
	[tilespmem:s1+$0xFFFFFF40] =	vst v5  }
0x138: {  	[tilespmem:s3+$0xFFFFFFC0] =	vst v4;
	v4 =	vld [tilespmem:s2+$0xFFFFFF50]  }
0x139: {  	v5 =	vld [tilespmem:s2+$0xFFFFFFD0];
	[tilespmem:s3+$0x40] =	vst v3  }
0x13a: {  	v3 =	vld [tilespmem:s2+$0x50];
	_ =	sdelay $0x4  }
0x13b: {  	v7 =	vld.idx.msk [tilespmem:v6+s20+$0x0], $0xffff  }
0x13c: {  	v8 =	vld.idx.msk [tilespmem:v4+s20+$0x0], $0xffff  }
0x13d: {  	v9 =	vld.idx.msk [tilespmem:v5+s20+$0x0], $0xffff  }
0x13e: {  	v10 =	vld.idx.msk [tilespmem:v3+s20+$0x0], $0xffff;
	_ =	sdelay $0x1  }
0x13f: {  	[tilespmem:s25+$0xD0] =	vst v7  }
0x140: {  	v6 =	vld.idx.msk [tilespmem:v6+s21+$0x0], $0xffff;
	[tilespmem:s25+$0xFFFFFF50] =	vst v8  }
0x141: {  	[tilespmem:s25+$0xFFFFFFD0] =	vst v9;
	v4 =	vld.idx.msk [tilespmem:v4+s21+$0x0], $0xffff  }
0x142: {  	v5 =	vld.idx.msk [tilespmem:v5+s21+$0x0], $0xffff;
	[tilespmem:s25+$0x50] =	vst v10  }
0x143: {  	v3 =	vld.idx.msk [tilespmem:v3+s21+$0x0], $0xffff;
	_ =	sdelay $0x1  }
0x144: {  	[tilespmem:s3+$0xD0] =	vst v6  }
0x145: {  	v6 =	vld [tilespmem:s2+$0xE0];
	[tilespmem:s3+$0xFFFFFF50] =	vst v4  }
0x146: {  	[tilespmem:s3+$0xFFFFFFD0] =	vst v5;
	v4 =	vld [tilespmem:s2+$0xFFFFFF60]  }
0x147: {  	v5 =	vld [tilespmem:s2+$0xFFFFFFE0];
	[tilespmem:s3+$0x50] =	vst v3  }
0x148: {  	v3 =	vld [tilespmem:s2+$0x60];
	_ =	sdelay $0x4  }
0x149: {  	v7 =	vld.idx.msk [tilespmem:v6+s20+$0x0], $0xffff  }
0x14a: {  	v8 =	vld.idx.msk [tilespmem:v4+s20+$0x0], $0xffff  }
0x14b: {  	v9 =	vld.idx.msk [tilespmem:v5+s20+$0x0], $0xffff  }
0x14c: {  	v10 =	vld.idx.msk [tilespmem:v3+s20+$0x0], $0xffff;
	_ =	sdelay $0x1  }
0x14d: {  	[tilespmem:s25+$0xE0] =	vst v7  }
0x14e: {  	v6 =	vld.idx.msk [tilespmem:v6+s21+$0x0], $0xffff;
	[tilespmem:s25+$0xFFFFFF60] =	vst v8  }
0x14f: {  	[tilespmem:s25+$0xFFFFFFE0] =	vst v9;
	v4 =	vld.idx.msk [tilespmem:v4+s21+$0x0], $0xffff  }
0x150: {  	v5 =	vld.idx.msk [tilespmem:v5+s21+$0x0], $0xffff;
	[tilespmem:s25+$0x60] =	vst v10  }
0x151: {  	v3 =	vld.idx.msk [tilespmem:v3+s21+$0x0], $0xffff;
	_ =	sdelay $0x1  }
0x152: {  	[tilespmem:s3+$0xE0] =	vst v6  }
0x153: {  	v6 =	vld [tilespmem:s2+$0xF0];
	[tilespmem:s3+$0xFFFFFF60] =	vst v4  }
0x154: {  	[tilespmem:s3+$0xFFFFFFE0] =	vst v5;
	v4 =	vld [tilespmem:s2+$0xFFFFFF70]  }
0x155: {  	[tilespmem:s3+$0x60] =	vst v3;
	v3 =	vld [tilespmem:s2+$0xFFFFFFF0]  }
0x156: {  	v5 =	vld [tilespmem:s2+$0x70];
	_ =	sdelay $0x4  }
0x157: {  	v7 =	vld.idx.msk [tilespmem:v6+s20+$0x0], $0xffff  }
0x158: {  	v8 =	vld.idx.msk [tilespmem:v4+s20+$0x0], $0xffff  }
0x159: {  	v9 =	vld.idx.msk [tilespmem:v3+s20+$0x0], $0xffff  }
0x15a: {  	v10 =	vld.idx.msk [tilespmem:v5+s20+$0x0], $0xffff  }
0x15b: {  	[tilespmem:s0+$0xFFFFFF70] =	vst v2  }
0x15c: {  	v0 =	vld.idx.msk [tilespmem:v0+s21+$0x0], $0xffff;
	[tilespmem:s25+$0xF0] =	vst v7  }
0x15d: {  	v2 =	vld.idx.msk [tilespmem:v6+s21+$0x0], $0xffff;
	[tilespmem:s25+$0xFFFFFF70] =	vst v8  }
0x15e: {  	[tilespmem:s25+$0xFFFFFFF0] =	vst v9;
	v4 =	vld.idx.msk [tilespmem:v4+s21+$0x0], $0xffff  }
0x15f: {  	v3 =	vld.idx.msk [tilespmem:v3+s21+$0x0], $0xffff;
	[tilespmem:s25+$0x70] =	vst v10  }
0x160: {  	[tilespmem:s0+$0xFFFFFFF0] =	vst v1;
	v1 =	vld.idx.msk [tilespmem:v5+s21+$0x0], $0xffff  }
0x161: {  	[tilespmem:s0+$0x70] =	vst v0  }
0x162: {  	[tilespmem:s3+$0xF0] =	vst v2  }
0x163: {  	[tilespmem:s3+$0xFFFFFF70] =	vst v4  }
0x164: {  	[tilespmem:s3+$0xFFFFFFF0] =	vst v3  }
0x165: {  	s16 =	simm.s32 $0x15000;
	[tilespmem:s3+$0x70] =	vst v1  }
0x166: {  	[hbm4b:s9+s14] =	stream.strided.scatter [tilespmem:s16], [sflag:$0x4], $0x2000, s15, s14, $0x38;
	[tilespmem:$0x1D000] =	vst v63  }
0x167: {  	s26 =	simm.s32 $0x131F0;
	s25 =	simm.s32 $0x19000  }
0x168: {  	[hbm4b:s10+s14] =	stream.strided.scatter [tilespmem:s25], [sflag:$0x5], $0x2000, s15, s14, $0x38;
	[tilespmem:$0x1D000] =	vst v63  }
0x169: {  	v0 =	vld [tilespmem:s26+$0xFFFFFF90];
	_ =	sdelay $0x1  }
0x16a: {  	v1 =	vld [tilespmem:s26+$0xFFFFFE10]  }
0x16b: {  	v2 =	vld [tilespmem:s26+$0xFFFFFE90];
	_ =	sdelay $0x1  }
0x16c: {  	v3 =	vld [tilespmem:s26+$0xFFFFFF10];
	_ =	sdelay $0x2  }
0x16d: {  	v4 =	vld.idx.msk [tilespmem:v0+s20+$0x0], $0xffff;
	_ =	sdelay $0x1  }
0x16e: {  	v5 =	vld.idx.msk [tilespmem:v1+s20+$0x0], $0xffff  }
0x16f: {  	v6 =	vld.idx.msk [tilespmem:v2+s20+$0x0], $0xffff  }
0x170: {  	s3 =	simm.s32 $0x171F0  }
0x171: {  	v7 =	vld.idx.msk [tilespmem:v3+s20+$0x0], $0xffff;
	[tilespmem:s3+$0xFFFFFF90] =	vst v4  }
0x172: {  	v0 =	vld.idx.msk [tilespmem:v0+s21+$0x0], $0xffff  }
0x173: {  	[tilespmem:s3+$0xFFFFFE10] =	vst v5  }
0x174: {  	[tilespmem:s3+$0xFFFFFE90] =	vst v6;
	v1 =	vld.idx.msk [tilespmem:v1+s21+$0x0], $0xffff  }
0x175: {  	v2 =	vld.idx.msk [tilespmem:v2+s21+$0x0], $0xffff  }
0x176: {  	s0 =	simm.s32 $0x1B1F0;
	[tilespmem:s3+$0xFFFFFF10] =	vst v7  }
0x177: {  	v3 =	vld.idx.msk [tilespmem:v3+s21+$0x0], $0xffff;
	[tilespmem:s0+$0xFFFFFF90] =	vst v0  }
0x178: {  	v0 =	vld [tilespmem:s26+$0xFFFFFFA0]  }
0x179: {  	[tilespmem:s0+$0xFFFFFE10] =	vst v1  }
0x17a: {  	[tilespmem:s0+$0xFFFFFE90] =	vst v2;
	v1 =	vld [tilespmem:s26+$0xFFFFFE20]  }
0x17b: {  	v2 =	vld [tilespmem:s26+$0xFFFFFEA0]  }
0x17c: {  	[tilespmem:s0+$0xFFFFFF10] =	vst v3  }
0x17d: {  	v3 =	vld [tilespmem:s26+$0xFFFFFF20];
	_ =	sdelay $0x2  }
0x17e: {  	v4 =	vld.idx.msk [tilespmem:v0+s20+$0x0], $0xffff;
	_ =	sdelay $0x1  }
0x17f: {  	v5 =	vld.idx.msk [tilespmem:v1+s20+$0x0], $0xffff  }
0x180: {  	v6 =	vld.idx.msk [tilespmem:v2+s20+$0x0], $0xffff;
	_ =	sdelay $0x1  }
0x181: {  	v7 =	vld.idx.msk [tilespmem:v3+s20+$0x0], $0xffff;
	[tilespmem:s3+$0xFFFFFFA0] =	vst v4  }
0x182: {  	v0 =	vld.idx.msk [tilespmem:v0+s21+$0x0], $0xffff  }
0x183: {  	[tilespmem:s3+$0xFFFFFE20] =	vst v5  }
0x184: {  	[tilespmem:s3+$0xFFFFFEA0] =	vst v6;
	v1 =	vld.idx.msk [tilespmem:v1+s21+$0x0], $0xffff  }
0x185: {  	v2 =	vld.idx.msk [tilespmem:v2+s21+$0x0], $0xffff  }
0x186: {  	[tilespmem:s3+$0xFFFFFF20] =	vst v7  }
0x187: {  	v3 =	vld.idx.msk [tilespmem:v3+s21+$0x0], $0xffff;
	[tilespmem:s0+$0xFFFFFFA0] =	vst v0  }
0x188: {  	v0 =	vld [tilespmem:s26+$0xFFFFFFB0]  }
0x189: {  	[tilespmem:s0+$0xFFFFFE20] =	vst v1  }
0x18a: {  	[tilespmem:s0+$0xFFFFFEA0] =	vst v2;
	v1 =	vld [tilespmem:s26+$0xFFFFFE30]  }
0x18b: {  	v2 =	vld [tilespmem:s26+$0xFFFFFEB0]  }
0x18c: {  	[tilespmem:s0+$0xFFFFFF20] =	vst v3  }
0x18d: {  	v3 =	vld [tilespmem:s26+$0xFFFFFF30];
	_ =	sdelay $0x2  }
0x18e: {  	v4 =	vld.idx.msk [tilespmem:v0+s20+$0x0], $0xffff;
	_ =	sdelay $0x1  }
0x18f: {  	v5 =	vld.idx.msk [tilespmem:v1+s20+$0x0], $0xffff  }
0x190: {  	v6 =	vld.idx.msk [tilespmem:v2+s20+$0x0], $0xffff;
	_ =	sdelay $0x1  }
0x191: {  	v7 =	vld.idx.msk [tilespmem:v3+s20+$0x0], $0xffff;
	[tilespmem:s3+$0xFFFFFFB0] =	vst v4  }
0x192: {  	v0 =	vld.idx.msk [tilespmem:v0+s21+$0x0], $0xffff  }
0x193: {  	[tilespmem:s3+$0xFFFFFE30] =	vst v5  }
0x194: {  	[tilespmem:s3+$0xFFFFFEB0] =	vst v6;
	v1 =	vld.idx.msk [tilespmem:v1+s21+$0x0], $0xffff  }
0x195: {  	v2 =	vld.idx.msk [tilespmem:v2+s21+$0x0], $0xffff  }
0x196: {  	[tilespmem:s3+$0xFFFFFF30] =	vst v7  }
0x197: {  	v3 =	vld.idx.msk [tilespmem:v3+s21+$0x0], $0xffff;
	[tilespmem:s0+$0xFFFFFFB0] =	vst v0  }
0x198: {  	v0 =	vld [tilespmem:s26+$0xFFFFFFC0]  }
0x199: {  	[tilespmem:s0+$0xFFFFFE30] =	vst v1  }
0x19a: {  	[tilespmem:s0+$0xFFFFFEB0] =	vst v2;
	v1 =	vld [tilespmem:s26+$0xFFFFFE40]  }
0x19b: {  	v2 =	vld [tilespmem:s26+$0xFFFFFEC0]  }
0x19c: {  	[tilespmem:s0+$0xFFFFFF30] =	vst v3  }
0x19d: {  	v3 =	vld [tilespmem:s26+$0xFFFFFF40];
	_ =	sdelay $0x2  }
0x19e: {  	v4 =	vld.idx.msk [tilespmem:v0+s20+$0x0], $0xffff;
	_ =	sdelay $0x1  }
0x19f: {  	v5 =	vld.idx.msk [tilespmem:v1+s20+$0x0], $0xffff  }
0x1a0: {  	v6 =	vld.idx.msk [tilespmem:v2+s20+$0x0], $0xffff;
	_ =	sdelay $0x1  }
0x1a1: {  	v7 =	vld.idx.msk [tilespmem:v3+s20+$0x0], $0xffff;
	[tilespmem:s3+$0xFFFFFFC0] =	vst v4  }
0x1a2: {  	s2 =	simm.s32 $0x133F0;
	v0 =	vld.idx.msk [tilespmem:v0+s21+$0x0], $0xffff  }
0x1a3: {  	v8 =	vld [tilespmem:s2+$0xFFFFFE10];
	[tilespmem:s3+$0xFFFFFE40] =	vst v5  }
0x1a4: {  	[tilespmem:s3+$0xFFFFFEC0] =	vst v6;
	v1 =	vld.idx.msk [tilespmem:v1+s21+$0x0], $0xffff  }
0x1a5: {  	v2 =	vld.idx.msk [tilespmem:v2+s21+$0x0], $0xffff  }
0x1a6: {  	[tilespmem:s3+$0xFFFFFF40] =	vst v7;
	v4 =	vld [tilespmem:s2+$0xFFFFFF90]  }
0x1a7: {  	v3 =	vld.idx.msk [tilespmem:v3+s21+$0x0], $0xffff;
	[tilespmem:s0+$0xFFFFFFC0] =	vst v0  }
0x1a8: {  	v0 =	vld [tilespmem:s26+$0xFFFFFFD0]  }
0x1a9: {  	v7 =	vld [tilespmem:s2+$0xFFFFFF10];
	[tilespmem:s0+$0xFFFFFE40] =	vst v1  }
0x1aa: {  	[tilespmem:s0+$0xFFFFFEC0] =	vst v2;
	v1 =	vld [tilespmem:s26+$0xFFFFFE50]  }
0x1ab: {  	v2 =	vld [tilespmem:s26+$0xFFFFFED0]  }
0x1ac: {  	v5 =	vld [tilespmem:s2+$0xFFFFFE90];
	[tilespmem:s0+$0xFFFFFF40] =	vst v3  }
0x1ad: {  	v3 =	vld [tilespmem:s26+$0xFFFFFF50]  }
0x1ae: {  	v12 =	vld.idx.msk [tilespmem:v4+s20+$0x0], $0xffff  }
0x1af: {  	v48 =	vld.idx.msk [tilespmem:v8+s20+$0x0], $0xffff  }
0x1b0: {  	v6 =	vld.idx.msk [tilespmem:v0+s20+$0x0], $0xffff  }
0x1b1: {  	v13 =	vld.idx.msk [tilespmem:v7+s20+$0x0], $0xffff  }
0x1b2: {  	s16 =	simm.s32 $0x173F0;
	v9 =	vld.idx.msk [tilespmem:v1+s20+$0x0], $0xffff  }
0x1b3: {  	[tilespmem:s16+$0xFFFFFF90] =	vst v12;
	v10 =	vld.idx.msk [tilespmem:v2+s20+$0x0], $0xffff  }
0x1b4: {  	v4 =	vld.idx.msk [tilespmem:v4+s21+$0x0], $0xffff  }
0x1b5: {  	[tilespmem:s3+$0xFFFFFFD0] =	vst v6;
	v6 =	vld.idx.msk [tilespmem:v5+s20+$0x0], $0xffff  }
0x1b6: {  	[tilespmem:s16+$0xFFFFFE10] =	vst v48;
	v11 =	vld.idx.msk [tilespmem:v3+s20+$0x0], $0xffff  }
0x1b7: {  	[tilespmem:s3+$0xFFFFFE50] =	vst v9;
	v0 =	vld.idx.msk [tilespmem:v0+s21+$0x0], $0xffff  }
0x1b8: {  	[tilespmem:s3+$0xFFFFFED0] =	vst v10;
	v1 =	vld.idx.msk [tilespmem:v1+s21+$0x0], $0xffff  }
0x1b9: {  	[tilespmem:s16+$0xFFFFFF10] =	vst v13;
	v2 =	vld.idx.msk [tilespmem:v2+s21+$0x0], $0xffff  }
0x1ba: {  	[tilespmem:s16+$0xFFFFFE90] =	vst v6;
	v6 =	vld.idx.msk [tilespmem:v7+s21+$0x0], $0xffff  }
0x1bb: {  	[tilespmem:s3+$0xFFFFFF50] =	vst v11;
	v7 =	vld.idx.msk [tilespmem:v8+s21+$0x0], $0xffff  }
0x1bc: {  	[tilespmem:s0+$0xFFFFFFD0] =	vst v0;
	v5 =	vld.idx.msk [tilespmem:v5+s21+$0x0], $0xffff  }
0x1bd: {  	s1 =	simm.s32 $0x1B3F0;
	[tilespmem:s0+$0xFFFFFE50] =	vst v1;
	v1 =	vld.idx.msk [tilespmem:v3+s21+$0x0], $0xffff  }
0x1be: {  	[tilespmem:s1+$0xFFFFFF90] =	vst v4;
	v0 =	vld [tilespmem:s26+$0xFFFFFFE0]  }
0x1bf: {  	[tilespmem:s0+$0xFFFFFED0] =	vst v2;
	v2 =	vld [tilespmem:s2+$0xFFFFFFA0]  }
0x1c0: {  	v3 =	vld [tilespmem:s26+$0xFFFFFE60];
	[tilespmem:s1+$0xFFFFFE10] =	vst v7  }
0x1c1: {  	[tilespmem:s1+$0xFFFFFF10] =	vst v6;
	v6 =	vld [tilespmem:s2+$0xFFFFFE20]  }
0x1c2: {  	[tilespmem:s0+$0xFFFFFF50] =	vst v1;
	v1 =	vld [tilespmem:s2+$0xFFFFFF20]  }
0x1c3: {  	v4 =	vld [tilespmem:s26+$0xFFFFFEE0];
	[tilespmem:s1+$0xFFFFFE90] =	vst v5  }
0x1c4: {  	v7 =	vld [tilespmem:s2+$0xFFFFFEA0]  }
0x1c5: {  	v8 =	vld [tilespmem:s26+$0xFFFFFF60]  }
0x1c6: {  	v5 =	vld.idx.msk [tilespmem:v0+s20+$0x0], $0xffff  }
0x1c7: {  	v50 =	vld.idx.msk [tilespmem:v2+s20+$0x0], $0xffff  }
0x1c8: {  	v49 =	vld.idx.msk [tilespmem:v3+s20+$0x0], $0xffff  }
0x1c9: {  	v52 =	vld.idx.msk [tilespmem:v6+s20+$0x0], $0xffff  }
0x1ca: {  	v13 =	vld.idx.msk [tilespmem:v1+s20+$0x0], $0xffff  }
0x1cb: {  	[tilespmem:s3+$0xFFFFFFE0] =	vst v5;
	v5 =	vld.idx.msk [tilespmem:v4+s20+$0x0], $0xffff  }
0x1cc: {  	v51 =	vld.idx.msk [tilespmem:v7+s20+$0x0], $0xffff  }
0x1cd: {  	[tilespmem:s16+$0xFFFFFFA0] =	vst v50;
	v53 =	vld.idx.msk [tilespmem:v8+s20+$0x0], $0xffff  }
0x1ce: {  	v2 =	vld.idx.msk [tilespmem:v2+s21+$0x0], $0xffff;
	[tilespmem:s3+$0xFFFFFE60] =	vst v49  }
0x1cf: {  	v0 =	vld.idx.msk [tilespmem:v0+s21+$0x0], $0xffff;
	[tilespmem:s16+$0xFFFFFE20] =	vst v52  }
0x1d0: {  	v3 =	vld.idx.msk [tilespmem:v3+s21+$0x0], $0xffff;
	[tilespmem:s16+$0xFFFFFF20] =	vst v13  }
0x1d1: {  	[tilespmem:s16+$0xFFFFFEA0] =	vst v51;
	v6 =	vld.idx.msk [tilespmem:v6+s21+$0x0], $0xffff  }
0x1d2: {  	[tilespmem:s3+$0xFFFFFEE0] =	vst v5;
	v1 =	vld.idx.msk [tilespmem:v1+s21+$0x0], $0xffff  }
0x1d3: {  	[tilespmem:s1+$0xFFFFFFA0] =	vst v2;
	v7 =	vld.idx.msk [tilespmem:v7+s21+$0x0], $0xffff  }
0x1d4: {  	[tilespmem:s0+$0xFFFFFFE0] =	vst v0;
	v2 =	vld.idx.msk [tilespmem:v4+s21+$0x0], $0xffff  }
0x1d5: {  	v0 =	vld [tilespmem:s26+$0xFFFFFFF0]  }
0x1d6: {  	[tilespmem:s3+$0xFFFFFF60] =	vst v53;
	v4 =	vld [tilespmem:s2+$0xFFFFFFB0]  }
0x1d7: {  	v5 =	vld.idx.msk [tilespmem:v8+s21+$0x0], $0xffff;
	[tilespmem:s1+$0xFFFFFE20] =	vst v6  }
0x1d8: {  	[tilespmem:s1+$0xFFFFFF20] =	vst v1;
	v8 =	vld [tilespmem:s2+$0xFFFFFE30]  }
0x1d9: {  	[tilespmem:s1+$0xFFFFFEA0] =	vst v7;
	v1 =	vld [tilespmem:s2+$0xFFFFFF30]  }
0x1da: {  	v6 =	vld [tilespmem:s2+$0xFFFFFEB0]  }
0x1db: {  	[tilespmem:s0+$0xFFFFFE60] =	vst v3  }
0x1dc: {  	[tilespmem:s0+$0xFFFFFEE0] =	vst v2;
	v2 =	vld [tilespmem:s26+$0xFFFFFE70]  }
0x1dd: {  	[tilespmem:s0+$0xFFFFFF60] =	vst v5;
	v7 =	vld.idx.msk [tilespmem:v0+s20+$0x0], $0xffff  }
0x1de: {  	v5 =	vld [tilespmem:s26+$0xFFFFFF70]  }
0x1df: {  	v54 =	vld.idx.msk [tilespmem:v4+s20+$0x0], $0xffff  }
0x1e0: {  	v55 =	vld.idx.msk [tilespmem:v8+s20+$0x0], $0xffff  }
0x1e1: {  	v56 =	vld.idx.msk [tilespmem:v1+s20+$0x0], $0xffff  }
0x1e2: {  	[tilespmem:s3+$0xFFFFFFF0] =	vst v7;
	v7 =	vld.idx.msk [tilespmem:v6+s20+$0x0], $0xffff  }
0x1e3: {  	v3 =	vld [tilespmem:s26+$0xFFFFFEF0]  }
0x1e4: {  	[tilespmem:s16+$0xFFFFFFB0] =	vst v54;
	v57 =	vld.idx.msk [tilespmem:v2+s20+$0x0], $0xffff  }
0x1e5: {  	v4 =	vld.idx.msk [tilespmem:v4+s21+$0x0], $0xffff;
	[tilespmem:s16+$0xFFFFFE30] =	vst v55  }
0x1e6: {  	v0 =	vld.idx.msk [tilespmem:v0+s21+$0x0], $0xffff;
	[tilespmem:s16+$0xFFFFFF30] =	vst v56  }
0x1e7: {  	[tilespmem:s16+$0xFFFFFEB0] =	vst v7;
	v7 =	vld.idx.msk [tilespmem:v8+s21+$0x0], $0xffff  }
0x1e8: {  	v1 =	vld.idx.msk [tilespmem:v1+s21+$0x0], $0xffff  }
0x1e9: {  	[tilespmem:s3+$0xFFFFFE70] =	vst v57;
	v8 =	vld.idx.msk [tilespmem:v5+s20+$0x0], $0xffff  }
0x1ea: {  	v2 =	vld.idx.msk [tilespmem:v2+s21+$0x0], $0xffff  }
0x1eb: {  	[tilespmem:s0+$0xFFFFFFF0] =	vst v0;
	v0 =	vld.idx.msk [tilespmem:v3+s20+$0x0], $0xffff  }
0x1ec: {  	[tilespmem:s1+$0xFFFFFFB0] =	vst v4;
	v6 =	vld.idx.msk [tilespmem:v6+s21+$0x0], $0xffff  }
0x1ed: {  	v4 =	vld [tilespmem:s2+$0xFFFFFFC0];
	[tilespmem:s1+$0xFFFFFE30] =	vst v7  }
0x1ee: {  	v58 =	vld [tilespmem:s26+$0x0];
	[tilespmem:s1+$0xFFFFFF30] =	vst v1  }
0x1ef: {  	[tilespmem:s3+$0xFFFFFF70] =	vst v8;
	v7 =	vld [tilespmem:s2+$0xFFFFFE40]  }
0x1f0: {  	v1 =	vld [tilespmem:s2+$0xFFFFFF40];
	[tilespmem:s3+$0xFFFFFEF0] =	vst v0  }
0x1f1: {  	[tilespmem:s0+$0xFFFFFE70] =	vst v2;
	v3 =	vld.idx.msk [tilespmem:v3+s21+$0x0], $0xffff  }
0x1f2: {  	[tilespmem:s1+$0xFFFFFEB0] =	vst v6;
	v8 =	vld [tilespmem:s26+$0xFFFFFE80]  }
0x1f3: {  	v6 =	vld [tilespmem:s2+$0xFFFFFEC0]  }
0x1f4: {  	v2 =	vld.idx.msk [tilespmem:v5+s21+$0x0], $0xffff  }
0x1f5: {  	v5 =	vld.idx.msk [tilespmem:v4+s20+$0x0], $0xffff  }
0x1f6: {  	v0 =	vld.idx.msk [tilespmem:v58+s20+$0x0], $0xffff;
	[tilespmem:s0+$0xFFFFFEF0] =	vst v3  }
0x1f7: {  	v60 =	vld [tilespmem:s26+$0xFFFFFF00]  }
0x1f8: {  	v10 =	vld.idx.msk [tilespmem:v7+s20+$0x0], $0xffff  }
0x1f9: {  	v3 =	vld.idx.msk [tilespmem:v1+s20+$0x0], $0xffff  }
0x1fa: {  	[tilespmem:s0+$0xFFFFFF70] =	vst v2;
	v61 =	vld.idx.msk [tilespmem:v8+s20+$0x0], $0xffff  }
0x1fb: {  	[tilespmem:s16+$0xFFFFFFC0] =	vst v5;
	v59 =	vld.idx.msk [tilespmem:v6+s20+$0x0], $0xffff  }
0x1fc: {  	[tilespmem:s3+$0x0] =	vst v0;
	v0 =	vld [tilespmem:s26+$0xFFFFFF80]  }
0x1fd: {  	v4 =	vld.idx.msk [tilespmem:v4+s21+$0x0], $0xffff  }
0x1fe: {  	v2 =	vld.idx.msk [tilespmem:v58+s21+$0x0], $0xffff;
	[tilespmem:s16+$0xFFFFFE40] =	vst v10  }
0x1ff: {  	[tilespmem:s16+$0xFFFFFF40] =	vst v3;
	v7 =	vld.idx.msk [tilespmem:v7+s21+$0x0], $0xffff  }
0x200: {  	[tilespmem:s16+$0xFFFFFEC0] =	vst v59;
	v1 =	vld.idx.msk [tilespmem:v1+s21+$0x0], $0xffff  }
0x201: {  	[tilespmem:s3+$0xFFFFFE80] =	vst v61;
	v5 =	vld.idx.msk [tilespmem:v6+s21+$0x0], $0xffff  }
0x202: {  	[tilespmem:s1+$0xFFFFFFC0] =	vst v4;
	v62 =	vld.idx.msk [tilespmem:v60+s20+$0x0], $0xffff  }
0x203: {  	[tilespmem:s0+$0x0] =	vst v2;
	v6 =	vld [tilespmem:s2+$0xFFFFFFD0]  }
0x204: {  	v63 =	vld.idx.msk [tilespmem:v0+s20+$0x0], $0xffff;
	[tilespmem:s1+$0xFFFFFE40] =	vst v7  }
0x205: {  	v2 =	vld.idx.msk [tilespmem:v8+s21+$0x0], $0xffff;
	[tilespmem:s1+$0xFFFFFF40] =	vst v1  }
0x206: {  	[tilespmem:s1+$0xFFFFFEC0] =	vst v5;
	v5 =	vld [tilespmem:s2+$0xFFFFFE50]  }
0x207: {  	v3 =	vld [tilespmem:s2+$0xFFFFFF50]  }
0x208: {  	s28 =	simm.s32 $0x135F0;
	[tilespmem:s3+$0xFFFFFF00] =	vst v62;
	v4 =	vld [tilespmem:s2+$0xFFFFFED0]  }
0x209: {  	s25 =	simm.s32 $0x173F0;
	s26 =	simm.s32 $0x44;
	v1 =	vld.idx.msk [tilespmem:v60+s21+$0x0], $0xffff;
	[tilespmem:s3+$0xFFFFFF80] =	vst v63;
	s3 =	simm.s32 $0x1B3F0  }
.LBB2_4:
0x20a: {  	v7 =	vld [tilespmem:s28+$0xFFFFFF90]  }
0x20b: {  	v8 =	vld [tilespmem:s28+$0xFFFFFE90]  }
0x20c: {  	s26 =	sadd.s32 $0x4, s26;
	v9 =	vld.idx.msk [tilespmem:v6+s20+$0x0], $0xffff  }
0x20d: {  	p0 =	slt.u32 s26, $0x7C;
	v10 =	vld [tilespmem:s28+$0xFFFFFF10]  }
0x20e: {  	v11 =	vld [tilespmem:s28+$0xFFFFFE10];
	[tilespmem:s0+$0xFFFFFE80] =	vst v2  }
0x20f: {  	v2 =	vld.idx.msk [tilespmem:v5+s20+$0x0], $0xffff;
	[tilespmem:s0+$0xFFFFFF00] =	vst v1  }
0x210: {  	v1 =	vld.idx.msk [tilespmem:v4+s20+$0x0], $0xffff  }
0x211: {  	v12 =	vld.idx.msk [tilespmem:v3+s20+$0x0], $0xffff  }
0x212: {  	v13 =	vld.idx.msk [tilespmem:v7+s20+$0x0], $0xffff;
	[tilespmem:s16+$0xFFFFFFD0] =	vst v9  }
0x213: {  	v6 =	vld.idx.msk [tilespmem:v6+s21+$0x0], $0xffff  }
0x214: {  	v9 =	vld.idx.msk [tilespmem:v8+s20+$0x0], $0xffff  }
0x215: {  	v14 =	vld.idx.msk [tilespmem:v10+s20+$0x0], $0xffff;
	[tilespmem:s16+$0xFFFFFE50] =	vst v2  }
0x216: {  	v2 =	vld.idx.msk [tilespmem:v11+s20+$0x0], $0xffff;
	[tilespmem:s16+$0xFFFFFED0] =	vst v1  }
0x217: {  	s16 =	sadd.s32 $0x200, s16;
	v1 =	vld.idx.msk [tilespmem:v5+s21+$0x0], $0xffff;
	[tilespmem:s25+$0xFFFFFF50] =	vst v12  }
0x218: {  	[tilespmem:s16+$0xFFFFFF90] =	vst v13;
	v4 =	vld.idx.msk [tilespmem:v4+s21+$0x0], $0xffff  }
0x219: {  	v5 =	vld.idx.msk [tilespmem:v7+s21+$0x0], $0xffff;
	[tilespmem:s1+$0xFFFFFFD0] =	vst v6  }
0x21a: {  	[tilespmem:s16+$0xFFFFFE90] =	vst v9;
	v6 =	vld [tilespmem:s2+$0xFFFFFFE0]  }
0x21b: {  	v7 =	vld.idx.msk [tilespmem:v8+s21+$0x0], $0xffff;
	[tilespmem:s16+$0xFFFFFF10] =	vst v14  }
0x21c: {  	[tilespmem:s16+$0xFFFFFE10] =	vst v2;
	v2 =	vld.idx.msk [tilespmem:v10+s21+$0x0], $0xffff  }
0x21d: {  	v8 =	vld.idx.msk [tilespmem:v11+s21+$0x0], $0xffff;
	[tilespmem:s1+$0xFFFFFE50] =	vst v1  }
0x21e: {  	s1 =	sadd.s32 $0x200, s1;
	[tilespmem:s3+$0xFFFFFED0] =	vst v4;
	v1 =	vld.idx.msk [tilespmem:v3+s21+$0x0], $0xffff  }
0x21f: {  	[tilespmem:s1+$0xFFFFFF90] =	vst v5;
	v3 =	vld [tilespmem:s2+$0xFFFFFE60]  }
0x220: {  	v4 =	vld [tilespmem:s28+$0xFFFFFFA0]  }
0x221: {  	[tilespmem:s1+$0xFFFFFE90] =	vst v7;
	v5 =	vld [tilespmem:s2+$0xFFFFFEE0]  }
0x222: {  	[tilespmem:s1+$0xFFFFFF10] =	vst v2;
	v2 =	vld.idx.msk [tilespmem:v6+s20+$0x0], $0xffff  }
0x223: {  	[tilespmem:s1+$0xFFFFFE10] =	vst v8;
	v7 =	vld [tilespmem:s28+$0xFFFFFEA0]  }
0x224: {  	v8 =	vld [tilespmem:s28+$0xFFFFFE20];
	[tilespmem:s3+$0xFFFFFF50] =	vst v1  }
0x225: {  	v1 =	vld [tilespmem:s28+$0xFFFFFF20]  }
0x226: {  	v9 =	vld [tilespmem:s2+$0xFFFFFF60]  }
0x227: {  	v10 =	vld.idx.msk [tilespmem:v3+s20+$0x0], $0xffff  }
0x228: {  	v11 =	vld.idx.msk [tilespmem:v4+s20+$0x0], $0xffff;
	[tilespmem:s25+$0xFFFFFFE0] =	vst v2  }
0x229: {  	v2 =	vld.idx.msk [tilespmem:v6+s21+$0x0], $0xffff  }
0x22a: {  	v6 =	vld.idx.msk [tilespmem:v5+s20+$0x0], $0xffff  }
0x22b: {  	v12 =	vld.idx.msk [tilespmem:v7+s20+$0x0], $0xffff  }
0x22c: {  	v13 =	vld.idx.msk [tilespmem:v8+s20+$0x0], $0xffff  }
0x22d: {  	v14 =	vld.idx.msk [tilespmem:v1+s20+$0x0], $0xffff;
	[tilespmem:s25+$0xFFFFFE60] =	vst v10  }
0x22e: {  	[tilespmem:s16+$0xFFFFFFA0] =	vst v11;
	v10 =	vld.idx.msk [tilespmem:v9+s20+$0x0], $0xffff  }
0x22f: {  	v4 =	vld.idx.msk [tilespmem:v4+s21+$0x0], $0xffff;
	[tilespmem:s3+$0xFFFFFFE0] =	vst v2  }
0x230: {  	[tilespmem:s25+$0xFFFFFEE0] =	vst v6;
	v2 =	vld [tilespmem:s2+$0xFFFFFFF0]  }
0x231: {  	[tilespmem:s16+$0xFFFFFEA0] =	vst v12;
	v3 =	vld.idx.msk [tilespmem:v3+s21+$0x0], $0xffff  }
0x232: {  	[tilespmem:s16+$0xFFFFFE20] =	vst v13;
	v6 =	vld.idx.msk [tilespmem:v7+s21+$0x0], $0xffff  }
0x233: {  	v7 =	vld.idx.msk [tilespmem:v8+s21+$0x0], $0xffff;
	[tilespmem:s16+$0xFFFFFF20] =	vst v14  }
0x234: {  	v1 =	vld.idx.msk [tilespmem:v1+s21+$0x0], $0xffff;
	[tilespmem:s25+$0xFFFFFF60] =	vst v10  }
0x235: {  	[tilespmem:s1+$0xFFFFFFA0] =	vst v4;
	v4 =	vld.idx.msk [tilespmem:v5+s21+$0x0], $0xffff  }
0x236: {  	v5 =	vld [tilespmem:s28+$0xFFFFFFB0]  }
0x237: {  	[tilespmem:s3+$0xFFFFFE60] =	vst v3;
	v3 =	vld.idx.msk [tilespmem:v9+s21+$0x0], $0xffff  }
0x238: {  	[tilespmem:s1+$0xFFFFFEA0] =	vst v6;
	v6 =	vld.idx.msk [tilespmem:v2+s20+$0x0], $0xffff  }
0x239: {  	[tilespmem:s1+$0xFFFFFE20] =	vst v7;
	v7 =	vld [tilespmem:s28+$0xFFFFFEB0]  }
0x23a: {  	v8 =	vld [tilespmem:s28+$0xFFFFFE30];
	[tilespmem:s1+$0xFFFFFF20] =	vst v1  }
0x23b: {  	v1 =	vld [tilespmem:s28+$0xFFFFFF30];
	[tilespmem:s3+$0xFFFFFEE0] =	vst v4  }
0x23c: {  	v4 =	vld [tilespmem:s2+$0xFFFFFE70]  }
0x23d: {  	v9 =	vld [tilespmem:s2+$0xFFFFFEF0];
	[tilespmem:s3+$0xFFFFFF60] =	vst v3  }
0x23e: {  	v3 =	vld.idx.msk [tilespmem:v5+s20+$0x0], $0xffff;
	[tilespmem:s25+$0xFFFFFFF0] =	vst v6  }
0x23f: {  	v2 =	vld.idx.msk [tilespmem:v2+s21+$0x0], $0xffff  }
0x240: {  	v6 =	vld [tilespmem:s2+$0xFFFFFF70]  }
0x241: {  	v10 =	vld.idx.msk [tilespmem:v7+s20+$0x0], $0xffff  }
0x242: {  	v11 =	vld.idx.msk [tilespmem:v8+s20+$0x0], $0xffff  }
0x243: {  	v12 =	vld.idx.msk [tilespmem:v1+s20+$0x0], $0xffff  }
0x244: {  	[tilespmem:s16+$0xFFFFFFB0] =	vst v3;
	v3 =	vld.idx.msk [tilespmem:v4+s20+$0x0], $0xffff  }
0x245: {  	v5 =	vld.idx.msk [tilespmem:v5+s21+$0x0], $0xffff;
	[tilespmem:s3+$0xFFFFFFF0] =	vst v2  }
0x246: {  	v2 =	vld [tilespmem:s2+$0x0]  }
0x247: {  	[tilespmem:s16+$0xFFFFFEB0] =	vst v10;
	v10 =	vld.idx.msk [tilespmem:v9+s20+$0x0], $0xffff  }
0x248: {  	[tilespmem:s16+$0xFFFFFE30] =	vst v11;
	v7 =	vld.idx.msk [tilespmem:v7+s21+$0x0], $0xffff  }
0x249: {  	v8 =	vld.idx.msk [tilespmem:v8+s21+$0x0], $0xffff;
	[tilespmem:s16+$0xFFFFFF30] =	vst v12  }
0x24a: {  	v1 =	vld.idx.msk [tilespmem:v1+s21+$0x0], $0xffff;
	[tilespmem:s25+$0xFFFFFE70] =	vst v3  }
0x24b: {  	v3 =	vld.idx.msk [tilespmem:v6+s20+$0x0], $0xffff  }
0x24c: {  	[tilespmem:s1+$0xFFFFFFB0] =	vst v5;
	v4 =	vld.idx.msk [tilespmem:v4+s21+$0x0], $0xffff  }
0x24d: {  	v5 =	vld [tilespmem:s28+$0xFFFFFFC0];
	[tilespmem:s25+$0xFFFFFEF0] =	vst v10  }
0x24e: {  	[tilespmem:s1+$0xFFFFFEB0] =	vst v7;
	v7 =	vld.idx.msk [tilespmem:v2+s20+$0x0], $0xffff  }
0x24f: {  	[tilespmem:s1+$0xFFFFFE30] =	vst v8;
	v8 =	vld [tilespmem:s28+$0xFFFFFEC0]  }
0x250: {  	v10 =	vld [tilespmem:s28+$0xFFFFFE40];
	[tilespmem:s1+$0xFFFFFF30] =	vst v1  }
0x251: {  	v1 =	vld [tilespmem:s28+$0xFFFFFF40];
	[tilespmem:s25+$0xFFFFFF70] =	vst v3  }
0x252: {  	[tilespmem:s3+$0xFFFFFE70] =	vst v4;
	v3 =	vld.idx.msk [tilespmem:v9+s21+$0x0], $0xffff  }
0x253: {  	v4 =	vld.idx.msk [tilespmem:v6+s21+$0x0], $0xffff  }
0x254: {  	v9 =	vld [tilespmem:s2+$0xFFFFFE80];
	[tilespmem:s25+$0x0] =	vst v7  }
0x255: {  	v2 =	vld.idx.msk [tilespmem:v2+s21+$0x0], $0xffff  }
0x256: {  	v6 =	vld.idx.msk [tilespmem:v5+s20+$0x0], $0xffff  }
0x257: {  	v7 =	vld.idx.msk [tilespmem:v8+s20+$0x0], $0xffff  }
0x258: {  	v11 =	vld.idx.msk [tilespmem:v10+s20+$0x0], $0xffff;
	[tilespmem:s3+$0xFFFFFEF0] =	vst v3  }
0x259: {  	v3 =	vld.idx.msk [tilespmem:v1+s20+$0x0], $0xffff;
	[tilespmem:s3+$0xFFFFFF70] =	vst v4  }
0x25a: {  	v12 =	vld [tilespmem:s2+$0xFFFFFF00]  }
0x25b: {  	v4 =	vld [tilespmem:s2+$0xFFFFFF80];
	[tilespmem:s3+$0x0] =	vst v2;
	s2 =	smov.u32 s28  }
0x25c: {  	[tilespmem:s16+$0xFFFFFFC0] =	vst v6;
	v2 =	vld.idx.msk [tilespmem:v9+s20+$0x0], $0xffff  }
0x25d: {  	[tilespmem:s16+$0xFFFFFEC0] =	vst v7;
	v5 =	vld.idx.msk [tilespmem:v5+s21+$0x0], $0xffff  }
0x25e: {  	[tilespmem:s16+$0xFFFFFE40] =	vst v11;
	v6 =	vld.idx.msk [tilespmem:v8+s21+$0x0], $0xffff  }
0x25f: {  	v7 =	vld.idx.msk [tilespmem:v10+s21+$0x0], $0xffff;
	[tilespmem:s16+$0xFFFFFF40] =	vst v3  }
0x260: {  	v1 =	vld.idx.msk [tilespmem:v1+s21+$0x0], $0xffff  }
0x261: {  	v8 =	vld.idx.msk [tilespmem:v0+s21+$0x0], $0xffff;
	v0 =	vmov v4  }
0x262: {  	[tilespmem:s25+$0xFFFFFE80] =	vst v2;
	v10 =	vld.idx.msk [tilespmem:v12+s20+$0x0], $0xffff  }
0x263: {  	[tilespmem:s1+$0xFFFFFFC0] =	vst v5;
	v11 =	vld.idx.msk [tilespmem:v4+s20+$0x0], $0xffff  }
0x264: {  	[tilespmem:s1+$0xFFFFFEC0] =	vst v6;
	v6 =	vld [tilespmem:s28+$0xFFFFFFD0]  }
.Ltmp1:
0x265: {  	[tilespmem:s1+$0xFFFFFE40] =	vst v7;
	v4 =	vld [tilespmem:s28+$0xFFFFFED0];
	(pc) =	sbr.rel @p0 .LBB2_4-.Ltmp1, $4  }
0x266: {  	v5 =	vld [tilespmem:s28+$0xFFFFFE50];
	[tilespmem:s1+$0xFFFFFF40] =	vst v1  }
0x267: {  	v3 =	vld [tilespmem:s28+$0xFFFFFF50];
	[tilespmem:s0+$0xFFFFFF80] =	vst v8;
	s0 =	smov.u32 s3;
	s3 =	smov.u32 s1  }
0x268: {  	v2 =	vld.idx.msk [tilespmem:v9+s21+$0x0], $0xffff;
	[tilespmem:s25+$0xFFFFFF00] =	vst v10  }
0x269: {  	s28 =	sadd.s32 $0x200, s28;
	v1 =	vld.idx.msk [tilespmem:v12+s21+$0x0], $0xffff;
	[tilespmem:s25+$0xFFFFFF80] =	vst v11;
	s25 =	smov.u32 s16  }
0x26a: {  	_ =	sdelay $0x3  }
0x26b: {  	v7 =	vld.idx.msk [tilespmem:v6+s20+$0x0], $0xffff  }
0x26c: {  	v9 =	vld.idx.msk [tilespmem:v4+s20+$0x0], $0xffff  }
0x26d: {  	v8 =	vld.idx.msk [tilespmem:v5+s20+$0x0], $0xffff  }
0x26e: {  	v10 =	vld.idx.msk [tilespmem:v3+s20+$0x0], $0xffff;
	_ =	sdelay $0x1  }
0x26f: {  	[tilespmem:s16+$0xFFFFFFD0] =	vst v7  }
0x270: {  	[tilespmem:s16+$0xFFFFFED0] =	vst v9;
	v54 =	vld.idx.msk [tilespmem:v6+s21+$0x0], $0xffff  }
0x271: {  	[tilespmem:s16+$0xFFFFFE50] =	vst v8;
	v56 =	vld.idx.msk [tilespmem:v4+s21+$0x0], $0xffff  }
0x272: {  	v55 =	vld.idx.msk [tilespmem:v5+s21+$0x0], $0xffff;
	[tilespmem:s25+$0xFFFFFF50] =	vst v10  }
0x273: {  	v57 =	vld.idx.msk [tilespmem:v3+s21+$0x0], $0xffff;
	_ =	sdelay $0x1  }
0x274: {  	[tilespmem:s1+$0xFFFFFFD0] =	vst v54  }
0x275: {  	[tilespmem:s3+$0xFFFFFED0] =	vst v56;
	v6 =	vld [tilespmem:s2+$0xFFFFFFE0]  }
0x276: {  	[tilespmem:s1+$0xFFFFFE50] =	vst v55;
	v59 =	vld [tilespmem:s2+$0xFFFFFEE0]  }
0x277: {  	v58 =	vld [tilespmem:s2+$0xFFFFFE60];
	[tilespmem:s3+$0xFFFFFF50] =	vst v57  }
0x278: {  	v3 =	vld [tilespmem:s2+$0xFFFFFF60];
	_ =	sdelay $0x4  }
0x279: {  	v7 =	vld.idx.msk [tilespmem:v6+s20+$0x0], $0xffff  }
0x27a: {  	v9 =	vld.idx.msk [tilespmem:v59+s20+$0x0], $0xffff  }
0x27b: {  	v8 =	vld.idx.msk [tilespmem:v58+s20+$0x0], $0xffff  }
0x27c: {  	v10 =	vld.idx.msk [tilespmem:v3+s20+$0x0], $0xffff;
	_ =	sdelay $0x1  }
0x27d: {  	[tilespmem:s25+$0xFFFFFFE0] =	vst v7  }
0x27e: {  	[tilespmem:s25+$0xFFFFFEE0] =	vst v9;
	v6 =	vld.idx.msk [tilespmem:v6+s21+$0x0], $0xffff  }
0x27f: {  	[tilespmem:s25+$0xFFFFFE60] =	vst v8;
	v5 =	vld.idx.msk [tilespmem:v59+s21+$0x0], $0xffff  }
0x280: {  	v4 =	vld.idx.msk [tilespmem:v58+s21+$0x0], $0xffff;
	[tilespmem:s25+$0xFFFFFF60] =	vst v10  }
0x281: {  	v3 =	vld.idx.msk [tilespmem:v3+s21+$0x0], $0xffff;
	_ =	sdelay $0x1  }
0x282: {  	[tilespmem:s3+$0xFFFFFFE0] =	vst v6  }
0x283: {  	[tilespmem:s3+$0xFFFFFEE0] =	vst v5;
	v6 =	vld [tilespmem:s2+$0xFFFFFFF0]  }
0x284: {  	[tilespmem:s3+$0xFFFFFE60] =	vst v4;
	v5 =	vld [tilespmem:s2+$0xFFFFFEF0]  }
0x285: {  	v4 =	vld [tilespmem:s2+$0xFFFFFE70];
	[tilespmem:s3+$0xFFFFFF60] =	vst v3  }
0x286: {  	v3 =	vld [tilespmem:s2+$0xFFFFFF70];
	_ =	sdelay $0x4  }
0x287: {  	v7 =	vld.idx.msk [tilespmem:v6+s20+$0x0], $0xffff  }
0x288: {  	v9 =	vld.idx.msk [tilespmem:v5+s20+$0x0], $0xffff  }
0x289: {  	v8 =	vld.idx.msk [tilespmem:v4+s20+$0x0], $0xffff  }
0x28a: {  	v10 =	vld.idx.msk [tilespmem:v3+s20+$0x0], $0xffff;
	_ =	sdelay $0x1  }
0x28b: {  	[tilespmem:s25+$0xFFFFFFF0] =	vst v7  }
0x28c: {  	[tilespmem:s25+$0xFFFFFEF0] =	vst v9;
	v6 =	vld.idx.msk [tilespmem:v6+s21+$0x0], $0xffff  }
0x28d: {  	[tilespmem:s25+$0xFFFFFE70] =	vst v8;
	v5 =	vld.idx.msk [tilespmem:v5+s21+$0x0], $0xffff  }
0x28e: {  	v4 =	vld.idx.msk [tilespmem:v4+s21+$0x0], $0xffff;
	[tilespmem:s25+$0xFFFFFF70] =	vst v10  }
0x28f: {  	v3 =	vld.idx.msk [tilespmem:v3+s21+$0x0], $0xffff;
	_ =	sdelay $0x1  }
0x290: {  	[tilespmem:s3+$0xFFFFFFF0] =	vst v6  }
0x291: {  	[tilespmem:s3+$0xFFFFFEF0] =	vst v5;
	v6 =	vld [tilespmem:s2+$0x0]  }
0x292: {  	[tilespmem:s3+$0xFFFFFE70] =	vst v4;
	v60 =	vld [tilespmem:s2+$0xFFFFFF00]  }
0x293: {  	v4 =	vld [tilespmem:s2+$0xFFFFFE80];
	[tilespmem:s3+$0xFFFFFF70] =	vst v3  }
0x294: {  	v61 =	vld [tilespmem:s2+$0xFFFFFF80];
	_ =	sdelay $0x4  }
0x295: {  	v7 =	vld.idx.msk [tilespmem:v6+s20+$0x0], $0xffff  }
0x296: {  	v9 =	vld.idx.msk [tilespmem:v60+s20+$0x0], $0xffff  }
0x297: {  	v8 =	vld.idx.msk [tilespmem:v4+s20+$0x0], $0xffff  }
0x298: {  	v10 =	vld.idx.msk [tilespmem:v61+s20+$0x0], $0xffff  }
0x299: {  	[tilespmem:s0+$0xFFFFFE80] =	vst v2  }
0x29a: {  	v0 =	vld.idx.msk [tilespmem:v0+s21+$0x0], $0xffff;
	[tilespmem:s25+$0x0] =	vst v7  }
0x29b: {  	[tilespmem:s25+$0xFFFFFF00] =	vst v9;
	v62 =	vld.idx.msk [tilespmem:v6+s21+$0x0], $0xffff  }
0x29c: {  	[tilespmem:s25+$0xFFFFFE80] =	vst v8;
	v3 =	vld.idx.msk [tilespmem:v60+s21+$0x0], $0xffff  }
0x29d: {  	v4 =	vld.idx.msk [tilespmem:v4+s21+$0x0], $0xffff;
	[tilespmem:s25+$0xFFFFFF80] =	vst v10  }
0x29e: {  	[tilespmem:s0+$0xFFFFFF00] =	vst v1;
	v63 =	vld.idx.msk [tilespmem:v61+s21+$0x0], $0xffff  }
0x29f: {  	[tilespmem:s0+$0xFFFFFF80] =	vst v0  }
0x2a0: {  	[tilespmem:s3+$0x0] =	vst v62  }
0x2a1: {  	[tilespmem:s3+$0xFFFFFF00] =	vst v3  }
0x2a2: {  	[tilespmem:s3+$0xFFFFFE80] =	vst v4  }
0x2a3: {  	s28 =	simm.s32 $0x17000;
	[tilespmem:s3+$0xFFFFFF80] =	vst v63  }
0x2a4: {  	[hbm4b:s11+s14] =	stream.strided.scatter [tilespmem:s28], [sflag:$0x4], $0x2000, s15, s14, $0x38;
	[tilespmem:$0x1D000] =	vst v63  }
0x2a5: {  	_ = 	snop  }
0x2a6: {  	[hbm4b:s12+s14] =	stream.strided.scatter [tilespmem:s29], [sflag:$0x5], $0x2000, s15, s14, $0x38;
	[tilespmem:$0x1D000] =	vst v63  }
0x2a7: {  	_ =	swait.ge [sflag:s30], $0x2000  }
0x2a8: {  	[sflag:s30] =	ssyncset.done $0x0  }
0x2a9: {  	[sflag:s30] =	ssyncadd.s32 $0xFFFFE000  }
0x2aa: {  	_ =	swait.ge [sflag:s31], $0x2000  }
0x2ab: {  	[sflag:s31] =	ssyncset.done $0x0  }
0x2ac: {  	s4 =	sadd.s32 $0x1, s4;
	[sflag:s31] =	ssyncadd.s32 $0xFFFFE000  }
0x2ad: {  	p0 =	sne.s32 s4, s13;
	_ =	swait.ge [sflag:s30], $0x2000  }
.Ltmp2:
0x2ae: {  	[sflag:s30] =	ssyncset.done $0x0;
	(pc) =	sbr.rel @p0 .LBB2_1-.Ltmp2, $4  }
0x2af: {  	[sflag:s30] =	ssyncadd.s32 $0xFFFFE000  }
0x2b0: {  	_ =	swait.ge [sflag:s31], $0x2000  }
0x2b1: {  	[sflag:s31] =	ssyncset.done $0x0  }
0x2b2: {  	[sflag:s31] =	ssyncadd.s32 $0xFFFFE000  }
0x2b3: {  	_ =	sfence.sel $0x180000  }
0x2b4: {  	[bflag:$0x0] =	sbarrier.arrive $0xFFFF  }
0x2b5: {  	_ =	strace $0x90000047  }
0x2b6: {  	s0 =	stileid.u32;
	[bflag:$0x2] =	sbarrier.arrive $0xFFFF  }
0x2b7: {  	p0 =	sne.s32 s0, $0x0;
	s0 =	rddreg [dreg:$0x4]  }
0x2b8: {  	s0 =	sadd.s32 @!p0 $0x100000, s0  }
0x2b9: {  	[sflag:s0] =	ssyncadd.tile.s32 @!p0 $0x1;
	_ =	shalt  }
.Lfunc_end2:
_tile_overlayer_lowered:
.L_overlay_start_2:
0x2ba: {  	(tag) =	ssettag $0x2  }
0x2bb: {  	s0 =	rddreg [dreg:$0x0];
	s2 =	stileid.u32  }
0x2bc: {  	s1 =	rddreg [dreg:$0x1];
	p0 =	sne.s32 s2, $0x0  }
0x2bd: {  	s3 =	rddreg [dreg:$0x2];
	[bflag:$0x3] =	sbarrier.arrive $0xFFFF;
	s2 =	simm.s32 @!p0 $0x1C06  }
0x2be: {  	[timem:s3], [sflag:s2] =	dma.local @!p0 [hbm:s0], s1  }
0x2bf: {  	s0 =	simm.s32 @!p0 $0x6  }
0x2c0: {  	_ =	swait.ge @!p0 [sflag:s0], s1  }
0x2c1: {  	s1 =	ssub.s32 @!p0 $0x0, s1;
	[sflag:s0] =	ssyncset.done @!p0 $0x0  }
0x2c2: {  	[sflag:s0] =	ssyncadd.s32 @!p0 s1  }
0x2c3: {  	[bflag:$0x3] =	sbarrier.arrive $0xFFFF  }
0x2c4: {  	_ =	shalt  }

</sc_bundles>
